<compile_context>
chip_gen: v7x
topology: tpu7x:2x2x1
jax: 0.10.2.dev20260603
libtpu: 0.0.44.dev20260713+nightly
codegen_flags: <defaults>
</compile_context>

<pallas_src>
import functools

import jax
import jax.numpy as jnp
from jax import lax
from jax.experimental import pallas as pl
from jax.experimental.pallas import tpu as pltpu
from jax.experimental.pallas import tpu_sc as plsc

NC = 2
NS = 16
CHUNK = 128
NBUF = 4


def _sc_agg_body(nchunks, rows_per_tile, n_nodes, with_deg, *refs):
    if with_deg:
        (x_hbm, src_hbm, dst_hbm, acc0_out, acc1_out, deg0_out, deg1_out,
         si0, si1, si2, si3, di0, di1, di2, di3, r0, r1, r2, r3,
         ones_v, zcol_v, x_sh, acc_sh, deg_sh,
         is0, is1, is2, is3, gs0, gs1, gs2, gs3) = refs
    else:
        (x_hbm, src_hbm, dst_hbm, acc0_out, acc1_out,
         si0, si1, si2, si3, di0, di1, di2, di3, r0, r1, r2, r3,
         x_sh, acc_sh, is0, is1, is2, is3, gs0, gs1, gs2, gs3) = refs
    sidx = (si0, si1, si2, si3)
    didx = (di0, di1, di2, di3)
    bufs = (r0, r1, r2, r3)
    isems = (is0, is1, is2, is3)
    gsems = (gs0, gs1, gs2, gs3)
    c = lax.axis_index("c")
    s = lax.axis_index("s")
    hf = x_sh.shape[1]
    zeros16 = jnp.zeros((16,), jnp.float32)
    ones16 = jnp.ones((16,), jnp.float32)
    row0 = s * rows_per_tile

    full_tiles = n_nodes // rows_per_tile
    tail = n_nodes - full_tiles * rows_per_tile
    fslice = pl.ds(c * hf, hf)

    @pl.when(s < full_tiles)
    def _():
        pltpu.sync_copy(x_hbm.at[pl.ds(row0, rows_per_tile), fslice],
                        x_sh.at[pl.ds(row0, rows_per_tile), :])
    if tail:
        @pl.when(s == full_tiles)
        def _():
            pltpu.sync_copy(x_hbm.at[pl.ds(row0, tail), fslice],
                            x_sh.at[pl.ds(row0, tail), :])

    def fill_zrow(i, carry):
        for j in range(hf // 16):
            r0[i, pl.ds(j * 16, 16)] = zeros16
        return carry
    lax.fori_loop(0, CHUNK, fill_zrow, None)

    if with_deg:
        def fill_zcol(k, carry):
            zcol_v[pl.ds(k * 16, 16)] = zeros16
            return carry
        lax.fori_loop(0, rows_per_tile // 16, fill_zcol, None)

        def fill_ones(k, carry):
            ones_v[pl.ds(k * 16, 16)] = ones16
            return carry
        lax.fori_loop(0, CHUNK // 16, fill_ones, None)

    for k in range(rows_per_tile // CHUNK):
        pltpu.sync_copy(r0, acc_sh.at[pl.ds(row0 + k * CHUNK, CHUNK), :])
    if with_deg:
        pltpu.sync_copy(zcol_v, deg_sh.at[pl.ds(row0, rows_per_tile)])
    plsc.subcore_barrier()

    base0 = s * (nchunks * CHUNK)

    def fetch_idx(g, j):
        pltpu.async_copy(src_hbm.at[pl.ds(base0 + g * CHUNK, CHUNK)],
                         sidx[j], isems[j])
        pltpu.async_copy(dst_hbm.at[pl.ds(base0 + g * CHUNK, CHUNK)],
                         didx[j], isems[j])

    def wait_idx(g, j):
        pltpu.make_async_copy(src_hbm.at[pl.ds(base0 + g * CHUNK, CHUNK)],
                              sidx[j], isems[j]).wait()
        pltpu.make_async_copy(dst_hbm.at[pl.ds(base0 + g * CHUNK, CHUNK)],
                              didx[j], isems[j]).wait()

    def gather(j):
        pltpu.async_copy(x_sh.at[sidx[j]], bufs[j], gsems[j])

    def wait_gather(j):
        pltpu.make_async_copy(x_sh.at[sidx[j]], bufs[j], gsems[j]).wait()

    def scatter(g, j):
        pltpu.sync_copy(bufs[j], acc_sh.at[didx[j]], add=True)
        if with_deg:
            own = lax.select(c == 0, g < nchunks // 2, g >= nchunks // 2)

            @pl.when(own)
            def _():
                pltpu.sync_copy(ones_v, deg_sh.at[didx[j]], add=True)

    for j in range(NBUF):
        fetch_idx(j, j)

    def pipe_body(m, carry):
        for j in range(NBUF):
            g = m * NBUF + j
            wait_idx(g, j)
            gather(j)
        for j in range(NBUF):
            g = m * NBUF + j
            wait_gather(j)
            scatter(g, j)

            @pl.when(g + NBUF < nchunks)
            def _():
                fetch_idx(g + NBUF, j)
        return carry
    lax.fori_loop(0, nchunks // NBUF, pipe_body, None)
    plsc.subcore_barrier()

    @pl.when(c == 0)
    def _():
        pltpu.sync_copy(acc_sh.at[pl.ds(row0, rows_per_tile), :],
                        acc0_out.at[pl.ds(row0, rows_per_tile), :])
        if with_deg:
            pltpu.sync_copy(deg_sh.at[pl.ds(row0, rows_per_tile)],
                            deg0_out.at[pl.ds(row0, rows_per_tile)])

    @pl.when(c == 1)
    def _():
        pltpu.sync_copy(acc_sh.at[pl.ds(row0, rows_per_tile), :],
                        acc1_out.at[pl.ds(row0, rows_per_tile), :])
        if with_deg:
            pltpu.sync_copy(deg_sh.at[pl.ds(row0, rows_per_tile)],
                            deg1_out.at[pl.ds(row0, rows_per_tile)])


def _make_sc_agg(n_acc, hf, nchunks, n_nodes, with_deg):
    rows_per_tile = n_acc // NS
    mesh = plsc.VectorSubcoreMesh(core_axis_name="c", subcore_axis_name="s",
                                  num_cores=NC, num_subcores=NS)
    out_type = [
        jax.ShapeDtypeStruct((n_acc, hf), jnp.float32),
        jax.ShapeDtypeStruct((n_acc, hf), jnp.float32),
    ]
    scratch = (
        [pltpu.VMEM((CHUNK,), jnp.int32) for _ in range(2 * NBUF)]
        + [pltpu.VMEM((CHUNK, hf), jnp.float32) for _ in range(NBUF)]
    )
    if with_deg:
        out_type += [jax.ShapeDtypeStruct((n_acc,), jnp.float32),
                     jax.ShapeDtypeStruct((n_acc,), jnp.float32)]
        scratch += [
            pltpu.VMEM((CHUNK,), jnp.float32),
            pltpu.VMEM((rows_per_tile,), jnp.float32),
            pltpu.VMEM_SHARED((n_acc, hf), jnp.float32),
            pltpu.VMEM_SHARED((n_acc, hf), jnp.float32),
            pltpu.VMEM_SHARED((n_acc,), jnp.float32),
        ]
    else:
        scratch += [
            pltpu.VMEM_SHARED((n_acc, hf), jnp.float32),
            pltpu.VMEM_SHARED((n_acc, hf), jnp.float32),
        ]
    scratch += [pltpu.SemaphoreType.DMA for _ in range(2 * NBUF)]
    return pl.kernel(
        functools.partial(_sc_agg_body, nchunks, rows_per_tile, n_nodes,
                          with_deg),
        out_type=out_type,
        mesh=mesh,
        scratch_types=scratch,
        compiler_params=pltpu.CompilerParams(use_tc_tiling_on_sc=False),
    )


def _tc_combine_body(do_relu, x_ref, a0_ref, a1_ref, d0_ref, d1_ref,
                     w1t_ref, w1b_ref, w2_ref, w3_ref, b1_ref, b3_ref,
                     o_ref):
    f32 = jnp.float32
    xv = x_ref[...]
    deg = d0_ref[...] + d1_ref[...]
    out = (jnp.dot(a0_ref[...], w1t_ref[...], preferred_element_type=f32)
           + jnp.dot(a1_ref[...], w1b_ref[...], preferred_element_type=f32))
    out = out + deg * (b1_ref[...] - jnp.dot(xv, w2_ref[...],
                                             preferred_element_type=f32))
    out = (out + jnp.dot(xv, w3_ref[...], preferred_element_type=f32)
           + b3_ref[...])
    if do_relu:
        out = jnp.maximum(out, 0.0)
    o_ref[...] = out


def _tc_combine(x, a0, a1, d0, d1, w1, w2, w3, b1, b3, do_relu, blk=1000):
    n, feat = x.shape
    hf = feat // 2
    rowspec = pl.BlockSpec((blk, feat), lambda i: (i, 0))
    hspec = pl.BlockSpec((blk, hf), lambda i: (i, 0))
    degspec = pl.BlockSpec((blk, 1), lambda i: (i, 0))
    wspec = pl.BlockSpec((feat, feat), lambda i: (0, 0))
    wt_spec = pl.BlockSpec((hf, feat), lambda i: (0, 0))
    wb_spec = pl.BlockSpec((hf, feat), lambda i: (1, 0))
    bspec = pl.BlockSpec((1, feat), lambda i: (0, 0))
    return pl.pallas_call(
        functools.partial(_tc_combine_body, do_relu),
        grid=(n // blk,),
        in_specs=[rowspec, hspec, hspec, degspec, degspec,
                  wt_spec, wb_spec, wspec, wspec, bspec, bspec],
        out_specs=rowspec,
        out_shape=jax.ShapeDtypeStruct((n, feat), jnp.float32),
    )(x, a0, a1, d0, d1, w1, w1, w2, w3, b1, b3)


def kernel(x, edge_index, l1_w1, l1_b1, l1_w2, l1_w3, l1_b3,
           l2_w1, l2_b1, l2_w2, l2_w3, l2_b3):
    n, feat = x.shape
    hf = feat // 2
    e = edge_index.shape[1]
    grain = NS * CHUNK * NBUF
    e_pad = -(-e // grain) * grain
    nchunks = e_pad // (NS * CHUNK)
    n_acc = -(-(n + 1) // (NS * CHUNK)) * (NS * CHUNK)
    sink = n

    src = edge_index[0]
    dst = edge_index[1]
    if e_pad != e:
        src = jnp.concatenate([src, jnp.zeros((e_pad - e,), jnp.int32)])
        dst = jnp.concatenate([dst, jnp.full((e_pad - e,), sink, jnp.int32)])

    a0, a1, d0, d1 = _make_sc_agg(n_acc, hf, nchunks, n, True)(x, src, dst)
    d0r = d0.reshape(n_acc, 1)
    d1r = d1.reshape(n_acc, 1)
    h = _tc_combine(x, a0, a1, d0r, d1r, l1_w1, l1_w2, l1_w3,
                    l1_b1.reshape(1, feat), l1_b3.reshape(1, feat),
                    do_relu=True)

    g0, g1 = _make_sc_agg(n_acc, hf, nchunks, n, False)(h, src, dst)
    out = _tc_combine(h, g0, g1, d0r, d1r, l2_w1, l2_w2, l2_w3,
                      l2_b1.reshape(1, feat), l2_b3.reshape(1, feat),
                      do_relu=False)
    return out

# --- scband reference (transcript-rebuilt; emitter-appended) ---
"""Pipeline reference for scband-lemodel-70351564308952 (READ-ONLY COPY).

The authoritative reference and input builder live on the scoring server;
editing this copy changes nothing except your own understanding.
"""

import jax, jax.numpy as jnp
import numpy as np

N, E, D, H = 10000, 320000, 128, 128


def leconv(x, edge_index, w1, b1, w2, w3, b3):
    # PyG LEConv: out_i = sum_{j->i} (lin1(x_j) - lin2(x_i)) + lin3(x_i)
    src = edge_index[0]
    dst = edge_index[1]
    a = x @ w1 + b1          # lin1 (with bias)
    b = x @ w2               # lin2 (no bias)
    msg = jnp.take(a, src, axis=0) - jnp.take(b, dst, axis=0)   # [E, out]
    agg = jax.ops.segment_sum(msg, dst, num_segments=x.shape[0])
    return agg + x @ w3 + b3  # lin3 (with bias)


def setup_inputs(seed: int = 0) -> dict:
    key = jax.random.key(seed)
    ks = jax.random.split(key, 12)
    x = jax.random.normal(ks[0], (N, D), dtype=jnp.float32)
    edge_index = jax.random.randint(ks[1], (2, E), 0, N, dtype=jnp.int32)
    s_in = 1.0 / np.sqrt(D)
    s_h = 1.0 / np.sqrt(H)
    inp = {
        'x': x,
        'edge_index': edge_index,
        'l1_w1': jax.random.normal(ks[2], (D, H), dtype=jnp.float32) * s_in,
        'l1_b1': jnp.zeros((H,), dtype=jnp.float32),
        'l1_w2': jax.random.normal(ks[3], (D, H), dtype=jnp.float32) * s_in,
        'l1_w3': jax.random.normal(ks[4], (D, H), dtype=jnp.float32) * s_in,
        'l1_b3': jnp.zeros((H,), dtype=jnp.float32),
        'l2_w1': jax.random.normal(ks[5], (H, H), dtype=jnp.float32) * s_h,
        'l2_b1': jnp.zeros((H,), dtype=jnp.float32),
        'l2_w2': jax.random.normal(ks[6], (H, H), dtype=jnp.float32) * s_h,
        'l2_w3': jax.random.normal(ks[7], (H, H), dtype=jnp.float32) * s_h,
        'l2_b3': jnp.zeros((H,), dtype=jnp.float32),
    }
    return inp


def reference(x, edge_index, l1_w1, l1_b1, l1_w2, l1_w3, l1_b3,
              l2_w1, l2_b1, l2_w2, l2_w3, l2_b3):
    g1 = leconv(x, edge_index, l1_w1, l1_b1, l1_w2, l1_w3, l1_b3)
    h = jax.nn.relu(g1)
    # F.dropout(p=0.2) treated as identity (eval / deterministic reference)
    g2 = leconv(h, edge_index, l2_w1, l2_b1, l2_w2, l2_w3, l2_b3)
    return g2

if __name__ == "__main__":
    import jax
    _d = setup_inputs()
    print(jax.jit(kernel)(*tuple(_d.values())))

</pallas_src>

<mosaic_0001>
#map = affine_map<(d0, d1) -> (0, 0)>
#map1 = affine_map<(d0, d1) -> (0)>
module attributes {stable_mosaic.version = 14 : i64} {
  func.func @_sc_agg_body(%arg0: i32, %arg1: i32, %arg2: memref<10000x128xf32, #tpu.memory_space<hbm>>, %arg3: memref<327680xi32, #tpu.memory_space<hbm>>, %arg4: memref<327680xi32, #tpu.memory_space<hbm>>, %arg5: memref<10240x64xf32, #tpu.memory_space<hbm>>, %arg6: memref<10240x64xf32, #tpu.memory_space<hbm>>, %arg7: memref<128xi32, #tpu.memory_space<vmem>>, %arg8: memref<128xi32, #tpu.memory_space<vmem>>, %arg9: memref<128xi32, #tpu.memory_space<vmem>>, %arg10: memref<128xi32, #tpu.memory_space<vmem>>, %arg11: memref<128xi32, #tpu.memory_space<vmem>>, %arg12: memref<128xi32, #tpu.memory_space<vmem>>, %arg13: memref<128xi32, #tpu.memory_space<vmem>>, %arg14: memref<128xi32, #tpu.memory_space<vmem>>, %arg15: memref<128x64xf32, #tpu.memory_space<vmem>>, %arg16: memref<128x64xf32, #tpu.memory_space<vmem>>, %arg17: memref<128x64xf32, #tpu.memory_space<vmem>>, %arg18: memref<128x64xf32, #tpu.memory_space<vmem>>, %arg19: memref<10240x64xf32, #tpu.memory_space<vmem_shared>>, %arg20: memref<10240x64xf32, #tpu.memory_space<vmem_shared>>, %arg21: memref<!tpu.dma_semaphore, #tpu.memory_space<semaphore_mem>>, %arg22: memref<!tpu.dma_semaphore, #tpu.memory_space<semaphore_mem>>, %arg23: memref<!tpu.dma_semaphore, #tpu.memory_space<semaphore_mem>>, %arg24: memref<!tpu.dma_semaphore, #tpu.memory_space<semaphore_mem>>, %arg25: memref<!tpu.dma_semaphore, #tpu.memory_space<semaphore_mem>>, %arg26: memref<!tpu.dma_semaphore, #tpu.memory_space<semaphore_mem>>, %arg27: memref<!tpu.dma_semaphore, #tpu.memory_space<semaphore_mem>>, %arg28: memref<!tpu.dma_semaphore, #tpu.memory_space<semaphore_mem>>) attributes {dimension_semantics = [#tpu.dimension_semantics<core_parallel>, #tpu.dimension_semantics<subcore_parallel>], iteration_bounds = array<i64: 2, 16>, scalar_prefetch = 0 : i64, scratch_operands = 22 : i64, tpu.core_type = #tpu.core_type<sc_vector_subcore>, window_params = [{transform_indices = #map}, {transform_indices = #map1}, {transform_indices = #map1}, {transform_indices = #map}, {transform_indices = #map}]} {
    %broadcast_in_dim3A = arith.constant 0.000000e+00 : f32
    %broadcast_in_dim3A_0 = vector.broadcast %broadcast_in_dim3A : f32 to vector<16xf32>
    %broadcast_in_dim3A_1 = arith.constant 1.000000e+00 : f32
    %broadcast_in_dim3A_2 = vector.broadcast %broadcast_in_dim3A_1 : f32 to vector<16xf32>
    %mul3A = arith.constant 640 : i32
    %mul3A_3 = arith.muli %arg1, %mul3A : i32
    %mul3A_4 = arith.constant 64 : i32
    %mul3A_5 = arith.muli %arg0, %mul3A_4 : i32
    %lt3A = arith.constant 15 : i32
    %lt3A_6 = arith.cmpi slt, %arg1, %lt3A : i32
    %convert_element_type3A = arith.extui %lt3A_6 : i1 to i32
    %cond3A = arith.constant 0 : i32
    %cond3A_7 = arith.cmpi ne, %convert_element_type3A, %cond3A : i32
    scf.if %cond3A_7 {
      "tpu.region"() ({
        %run_scoped3A = tpu.sem_alloc : memref<!tpu.dma_semaphore, #tpu.memory_space<semaphore_mem>>
        %dma_start3A_74 = arith.constant 0 : i32
        %dma_start3A_75 = tpu.memref_slice %arg19[%mul3A_3, %dma_start3A_74] : memref<10240x64xf32, #tpu.memory_space<vmem_shared>> -> memref<640x64xf32, #tpu.memory_space<vmem_shared>>
        %dma_start3A_76 = tpu.memref_slice %arg2[%mul3A_3, %mul3A_5] : memref<10000x128xf32, #tpu.memory_space<hbm>> -> memref<640x64xf32, #tpu.memory_space<hbm>>
        tpu.enqueue_dma source(%dma_start3A_76 : memref<640x64xf32, #tpu.memory_space<hbm>>) target(%dma_start3A_75 : memref<640x64xf32, #tpu.memory_space<vmem_shared>>) target_semaphore(%run_scoped3A : memref<!tpu.dma_semaphore, #tpu.memory_space<semaphore_mem>>)
        %dma_wait3A = arith.constant 0 : i32
        %dma_wait3A_77 = tpu.memref_slice %arg19[%mul3A_3, %dma_wait3A] : memref<10240x64xf32, #tpu.memory_space<vmem_shared>> -> memref<640x64xf32, #tpu.memory_space<vmem_shared>>
        %dma_wait3A_78 = tpu.memref_slice %arg2[%mul3A_3, %mul3A_5] : memref<10000x128xf32, #tpu.memory_space<hbm>> -> memref<640x64xf32, #tpu.memory_space<hbm>>
        tpu.wait_dma2 semaphore(%run_scoped3A : memref<!tpu.dma_semaphore, #tpu.memory_space<semaphore_mem>>) src(%dma_wait3A_78 : memref<640x64xf32, #tpu.memory_space<hbm>>) dst(%dma_wait3A_77 : memref<640x64xf32, #tpu.memory_space<vmem_shared>>)
        tpu.yield
      }) : () -> ()
    } else {
    }
    %eq3A = arith.constant 15 : i32
    %eq3A_8 = arith.cmpi eq, %arg1, %eq3A : i32
    %convert_element_type3A_9 = arith.extui %eq3A_8 : i1 to i32
    %cond3A_10 = arith.constant 0 : i32
    %cond3A_11 = arith.cmpi ne, %convert_element_type3A_9, %cond3A_10 : i32
    scf.if %cond3A_11 {
      "tpu.region"() ({
        %run_scoped3A = tpu.sem_alloc : memref<!tpu.dma_semaphore, #tpu.memory_space<semaphore_mem>>
        %dma_start3A_74 = arith.constant 0 : i32
        %dma_start3A_75 = tpu.memref_slice %arg19[%mul3A_3, %dma_start3A_74] : memref<10240x64xf32, #tpu.memory_space<vmem_shared>> -> memref<400x64xf32, #tpu.memory_space<vmem_shared>>
        %dma_start3A_76 = tpu.memref_slice %arg2[%mul3A_3, %mul3A_5] : memref<10000x128xf32, #tpu.memory_space<hbm>> -> memref<400x64xf32, #tpu.memory_space<hbm>>
        tpu.enqueue_dma source(%dma_start3A_76 : memref<400x64xf32, #tpu.memory_space<hbm>>) target(%dma_start3A_75 : memref<400x64xf32, #tpu.memory_space<vmem_shared>>) target_semaphore(%run_scoped3A : memref<!tpu.dma_semaphore, #tpu.memory_space<semaphore_mem>>)
        %dma_wait3A = arith.constant 0 : i32
        %dma_wait3A_77 = tpu.memref_slice %arg19[%mul3A_3, %dma_wait3A] : memref<10240x64xf32, #tpu.memory_space<vmem_shared>> -> memref<400x64xf32, #tpu.memory_space<vmem_shared>>
        %dma_wait3A_78 = tpu.memref_slice %arg2[%mul3A_3, %mul3A_5] : memref<10000x128xf32, #tpu.memory_space<hbm>> -> memref<400x64xf32, #tpu.memory_space<hbm>>
        tpu.wait_dma2 semaphore(%run_scoped3A : memref<!tpu.dma_semaphore, #tpu.memory_space<semaphore_mem>>) src(%dma_wait3A_78 : memref<400x64xf32, #tpu.memory_space<hbm>>) dst(%dma_wait3A_77 : memref<400x64xf32, #tpu.memory_space<vmem_shared>>)
        tpu.yield
      }) : () -> ()
    } else {
    }
    %scan3A = arith.constant 0 : i32
    %scan3A_12 = arith.constant 128 : i32
    %scan3A_13 = arith.addi %scan3A, %scan3A_12 : i32
    %scan3A_14 = arith.constant 1 : i32
    scf.for %scan3A_74 = %scan3A to %scan3A_13 step %scan3A_14  : i32 {
      %swap3A = arith.index_cast %scan3A_74 : i32 to index
      %swap3A_75 = arith.constant 0 : index
      %swap3A_76 = tpu.vector_load %arg15[%swap3A, %swap3A_75] {strides = array<i32>} : memref<128x64xf32, #tpu.memory_space<vmem>>, vector<1x16xf32>,
      %swap3A_77 = vector.shape_cast %swap3A_76 : vector<1x16xf32> to vector<16xf32>
      %swap3A_78 = vector.shape_cast %broadcast_in_dim3A_0 : vector<16xf32> to vector<1x16xf32>
      tpu.vector_store %arg15[%swap3A, %swap3A_75], %swap3A_78 {strides = array<i32>} : memref<128x64xf32, #tpu.memory_space<vmem>>, vector<1x16xf32>,
      %swap3A_79 = arith.index_cast %scan3A_74 : i32 to index
      %swap3A_80 = arith.constant 16 : index
      %swap3A_81 = tpu.vector_load %arg15[%swap3A_79, %swap3A_80] {strides = array<i32>} : memref<128x64xf32, #tpu.memory_space<vmem>>, vector<1x16xf32>,
      %swap3A_82 = vector.shape_cast %swap3A_81 : vector<1x16xf32> to vector<16xf32>
      %swap3A_83 = vector.shape_cast %broadcast_in_dim3A_0 : vector<16xf32> to vector<1x16xf32>
      tpu.vector_store %arg15[%swap3A_79, %swap3A_80], %swap3A_83 {strides = array<i32>} : memref<128x64xf32, #tpu.memory_space<vmem>>, vector<1x16xf32>,
      %swap3A_84 = arith.index_cast %scan3A_74 : i32 to index
      %swap3A_85 = arith.constant 32 : index
      %swap3A_86 = tpu.vector_load %arg15[%swap3A_84, %swap3A_85] {strides = array<i32>} : memref<128x64xf32, #tpu.memory_space<vmem>>, vector<1x16xf32>,
      %swap3A_87 = vector.shape_cast %swap3A_86 : vector<1x16xf32> to vector<16xf32>
      %swap3A_88 = vector.shape_cast %broadcast_in_dim3A_0 : vector<16xf32> to vector<1x16xf32>
      tpu.vector_store %arg15[%swap3A_84, %swap3A_85], %swap3A_88 {strides = array<i32>} : memref<128x64xf32, #tpu.memory_space<vmem>>, vector<1x16xf32>,
      %swap3A_89 = arith.index_cast %scan3A_74 : i32 to index
      %swap3A_90 = arith.constant 48 : index
      %swap3A_91 = tpu.vector_load %arg15[%swap3A_89, %swap3A_90] {strides = array<i32>} : memref<128x64xf32, #tpu.memory_space<vmem>>, vector<1x16xf32>,
      %swap3A_92 = vector.shape_cast %swap3A_91 : vector<1x16xf32> to vector<16xf32>
      %swap3A_93 = vector.shape_cast %broadcast_in_dim3A_0 : vector<16xf32> to vector<1x16xf32>
      tpu.vector_store %arg15[%swap3A_89, %swap3A_90], %swap3A_93 {strides = array<i32>} : memref<128x64xf32, #tpu.memory_space<vmem>>, vector<1x16xf32>,
    }
    %scan3A_15 = arith.constant 128 : i32
    %add3A = arith.constant 0 : i32
    %add3A_16 = arith.addi %mul3A_3, %add3A : i32
    "tpu.region"() ({
      %run_scoped3A = tpu.sem_alloc : memref<!tpu.dma_semaphore, #tpu.memory_space<semaphore_mem>>
      %dma_start3A_74 = arith.constant 0 : i32
      %dma_start3A_75 = tpu.memref_slice %arg20[%add3A_16, %dma_start3A_74] : memref<10240x64xf32, #tpu.memory_space<vmem_shared>> -> memref<128x64xf32, #tpu.memory_space<vmem_shared>>
      %dma_start3A_76 = arith.constant 0 : i32
      %dma_start3A_77 = tpu.memref_slice %arg20[%add3A_16, %dma_start3A_76] : memref<10240x64xf32, #tpu.memory_space<vmem_shared>> -> memref<128x64xf32, #tpu.memory_space<vmem_shared>>
      tpu.enqueue_dma source(%arg15 : memref<128x64xf32, #tpu.memory_space<vmem>>) target(%dma_start3A_77 : memref<128x64xf32, #tpu.memory_space<vmem_shared>>) target_semaphore(%run_scoped3A : memref<!tpu.dma_semaphore, #tpu.memory_space<semaphore_mem>>)
      %dma_wait3A = arith.constant 0 : i32
      %dma_wait3A_78 = tpu.memref_slice %arg20[%add3A_16, %dma_wait3A] : memref<10240x64xf32, #tpu.memory_space<vmem_shared>> -> memref<128x64xf32, #tpu.memory_space<vmem_shared>>
      %dma_wait3A_79 = arith.constant 0 : i32
      %dma_wait3A_80 = tpu.memref_slice %arg20[%add3A_16, %dma_wait3A_79] : memref<10240x64xf32, #tpu.memory_space<vmem_shared>> -> memref<128x64xf32, #tpu.memory_space<vmem_shared>>
      tpu.wait_dma2 semaphore(%run_scoped3A : memref<!tpu.dma_semaphore, #tpu.memory_space<semaphore_mem>>) src(%arg15 : memref<128x64xf32, #tpu.memory_space<vmem>>) dst(%dma_wait3A_80 : memref<128x64xf32, #tpu.memory_space<vmem_shared>>)
      tpu.yield
    }) : () -> ()
    %add3A_17 = arith.constant 128 : i32
    %add3A_18 = arith.addi %mul3A_3, %add3A_17 : i32
    "tpu.region"() ({
      %run_scoped3A = tpu.sem_alloc : memref<!tpu.dma_semaphore, #tpu.memory_space<semaphore_mem>>
      %dma_start3A_74 = arith.constant 0 : i32
      %dma_start3A_75 = tpu.memref_slice %arg20[%add3A_18, %dma_start3A_74] : memref<10240x64xf32, #tpu.memory_space<vmem_shared>> -> memref<128x64xf32, #tpu.memory_space<vmem_shared>>
      %dma_start3A_76 = arith.constant 0 : i32
      %dma_start3A_77 = tpu.memref_slice %arg20[%add3A_18, %dma_start3A_76] : memref<10240x64xf32, #tpu.memory_space<vmem_shared>> -> memref<128x64xf32, #tpu.memory_space<vmem_shared>>
      tpu.enqueue_dma source(%arg15 : memref<128x64xf32, #tpu.memory_space<vmem>>) target(%dma_start3A_77 : memref<128x64xf32, #tpu.memory_space<vmem_shared>>) target_semaphore(%run_scoped3A : memref<!tpu.dma_semaphore, #tpu.memory_space<semaphore_mem>>)
      %dma_wait3A = arith.constant 0 : i32
      %dma_wait3A_78 = tpu.memref_slice %arg20[%add3A_18, %dma_wait3A] : memref<10240x64xf32, #tpu.memory_space<vmem_shared>> -> memref<128x64xf32, #tpu.memory_space<vmem_shared>>
      %dma_wait3A_79 = arith.constant 0 : i32
      %dma_wait3A_80 = tpu.memref_slice %arg20[%add3A_18, %dma_wait3A_79] : memref<10240x64xf32, #tpu.memory_space<vmem_shared>> -> memref<128x64xf32, #tpu.memory_space<vmem_shared>>
      tpu.wait_dma2 semaphore(%run_scoped3A : memref<!tpu.dma_semaphore, #tpu.memory_space<semaphore_mem>>) src(%arg15 : memref<128x64xf32, #tpu.memory_space<vmem>>) dst(%dma_wait3A_80 : memref<128x64xf32, #tpu.memory_space<vmem_shared>>)
      tpu.yield
    }) : () -> ()
    %add3A_19 = arith.constant 256 : i32
    %add3A_20 = arith.addi %mul3A_3, %add3A_19 : i32
    "tpu.region"() ({
      %run_scoped3A = tpu.sem_alloc : memref<!tpu.dma_semaphore, #tpu.memory_space<semaphore_mem>>
      %dma_start3A_74 = arith.constant 0 : i32
      %dma_start3A_75 = tpu.memref_slice %arg20[%add3A_20, %dma_start3A_74] : memref<10240x64xf32, #tpu.memory_space<vmem_shared>> -> memref<128x64xf32, #tpu.memory_space<vmem_shared>>
      %dma_start3A_76 = arith.constant 0 : i32
      %dma_start3A_77 = tpu.memref_slice %arg20[%add3A_20, %dma_start3A_76] : memref<10240x64xf32, #tpu.memory_space<vmem_shared>> -> memref<128x64xf32, #tpu.memory_space<vmem_shared>>
      tpu.enqueue_dma source(%arg15 : memref<128x64xf32, #tpu.memory_space<vmem>>) target(%dma_start3A_77 : memref<128x64xf32, #tpu.memory_space<vmem_shared>>) target_semaphore(%run_scoped3A : memref<!tpu.dma_semaphore, #tpu.memory_space<semaphore_mem>>)
      %dma_wait3A = arith.constant 0 : i32
      %dma_wait3A_78 = tpu.memref_slice %arg20[%add3A_20, %dma_wait3A] : memref<10240x64xf32, #tpu.memory_space<vmem_shared>> -> memref<128x64xf32, #tpu.memory_space<vmem_shared>>
      %dma_wait3A_79 = arith.constant 0 : i32
      %dma_wait3A_80 = tpu.memref_slice %arg20[%add3A_20, %dma_wait3A_79] : memref<10240x64xf32, #tpu.memory_space<vmem_shared>> -> memref<128x64xf32, #tpu.memory_space<vmem_shared>>
      tpu.wait_dma2 semaphore(%run_scoped3A : memref<!tpu.dma_semaphore, #tpu.memory_space<semaphore_mem>>) src(%arg15 : memref<128x64xf32, #tpu.memory_space<vmem>>) dst(%dma_wait3A_80 : memref<128x64xf32, #tpu.memory_space<vmem_shared>>)
      tpu.yield
    }) : () -> ()
    %add3A_21 = arith.constant 384 : i32
    %add3A_22 = arith.addi %mul3A_3, %add3A_21 : i32
    "tpu.region"() ({
      %run_scoped3A = tpu.sem_alloc : memref<!tpu.dma_semaphore, #tpu.memory_space<semaphore_mem>>
      %dma_start3A_74 = arith.constant 0 : i32
      %dma_start3A_75 = tpu.memref_slice %arg20[%add3A_22, %dma_start3A_74] : memref<10240x64xf32, #tpu.memory_space<vmem_shared>> -> memref<128x64xf32, #tpu.memory_space<vmem_shared>>
      %dma_start3A_76 = arith.constant 0 : i32
      %dma_start3A_77 = tpu.memref_slice %arg20[%add3A_22, %dma_start3A_76] : memref<10240x64xf32, #tpu.memory_space<vmem_shared>> -> memref<128x64xf32, #tpu.memory_space<vmem_shared>>
      tpu.enqueue_dma source(%arg15 : memref<128x64xf32, #tpu.memory_space<vmem>>) target(%dma_start3A_77 : memref<128x64xf32, #tpu.memory_space<vmem_shared>>) target_semaphore(%run_scoped3A : memref<!tpu.dma_semaphore, #tpu.memory_space<semaphore_mem>>)
      %dma_wait3A = arith.constant 0 : i32
      %dma_wait3A_78 = tpu.memref_slice %arg20[%add3A_22, %dma_wait3A] : memref<10240x64xf32, #tpu.memory_space<vmem_shared>> -> memref<128x64xf32, #tpu.memory_space<vmem_shared>>
      %dma_wait3A_79 = arith.constant 0 : i32
      %dma_wait3A_80 = tpu.memref_slice %arg20[%add3A_22, %dma_wait3A_79] : memref<10240x64xf32, #tpu.memory_space<vmem_shared>> -> memref<128x64xf32, #tpu.memory_space<vmem_shared>>
      tpu.wait_dma2 semaphore(%run_scoped3A : memref<!tpu.dma_semaphore, #tpu.memory_space<semaphore_mem>>) src(%arg15 : memref<128x64xf32, #tpu.memory_space<vmem>>) dst(%dma_wait3A_80 : memref<128x64xf32, #tpu.memory_space<vmem_shared>>)
      tpu.yield
    }) : () -> ()
    %add3A_23 = arith.constant 512 : i32
    %add3A_24 = arith.addi %mul3A_3, %add3A_23 : i32
    "tpu.region"() ({
      %run_scoped3A = tpu.sem_alloc : memref<!tpu.dma_semaphore, #tpu.memory_space<semaphore_mem>>
      %dma_start3A_74 = arith.constant 0 : i32
      %dma_start3A_75 = tpu.memref_slice %arg20[%add3A_24, %dma_start3A_74] : memref<10240x64xf32, #tpu.memory_space<vmem_shared>> -> memref<128x64xf32, #tpu.memory_space<vmem_shared>>
      %dma_start3A_76 = arith.constant 0 : i32
      %dma_start3A_77 = tpu.memref_slice %arg20[%add3A_24, %dma_start3A_76] : memref<10240x64xf32, #tpu.memory_space<vmem_shared>> -> memref<128x64xf32, #tpu.memory_space<vmem_shared>>
      tpu.enqueue_dma source(%arg15 : memref<128x64xf32, #tpu.memory_space<vmem>>) target(%dma_start3A_77 : memref<128x64xf32, #tpu.memory_space<vmem_shared>>) target_semaphore(%run_scoped3A : memref<!tpu.dma_semaphore, #tpu.memory_space<semaphore_mem>>)
      %dma_wait3A = arith.constant 0 : i32
      %dma_wait3A_78 = tpu.memref_slice %arg20[%add3A_24, %dma_wait3A] : memref<10240x64xf32, #tpu.memory_space<vmem_shared>> -> memref<128x64xf32, #tpu.memory_space<vmem_shared>>
      %dma_wait3A_79 = arith.constant 0 : i32
      %dma_wait3A_80 = tpu.memref_slice %arg20[%add3A_24, %dma_wait3A_79] : memref<10240x64xf32, #tpu.memory_space<vmem_shared>> -> memref<128x64xf32, #tpu.memory_space<vmem_shared>>
      tpu.wait_dma2 semaphore(%run_scoped3A : memref<!tpu.dma_semaphore, #tpu.memory_space<semaphore_mem>>) src(%arg15 : memref<128x64xf32, #tpu.memory_space<vmem>>) dst(%dma_wait3A_80 : memref<128x64xf32, #tpu.memory_space<vmem_shared>>)
      tpu.yield
    }) : () -> ()
    %barrier3A = arith.constant 0 : index
    tpu.barrier barrier_id(%barrier3A)
    %mul3A_25 = arith.constant 20480 : i32
    %mul3A_26 = arith.muli %arg1, %mul3A_25 : i32
    %add3A_27 = arith.constant 0 : i32
    %add3A_28 = arith.addi %mul3A_26, %add3A_27 : i32
    %dma_start3A = tpu.memref_slice %arg3[%add3A_28] : memref<327680xi32, #tpu.memory_space<hbm>> -> memref<128xi32, #tpu.memory_space<hbm>>
    %dma_start3A_29 = tpu.memref_slice %arg3[%add3A_28] : memref<327680xi32, #tpu.memory_space<hbm>> -> memref<128xi32, #tpu.memory_space<hbm>>
    tpu.enqueue_dma source(%dma_start3A_29 : memref<128xi32, #tpu.memory_space<hbm>>) target(%arg7 : memref<128xi32, #tpu.memory_space<vmem>>) target_semaphore(%arg21 : memref<!tpu.dma_semaphore, #tpu.memory_space<semaphore_mem>>)
    %add3A_30 = arith.constant 0 : i32
    %add3A_31 = arith.addi %mul3A_26, %add3A_30 : i32
    %dma_start3A_32 = tpu.memref_slice %arg4[%add3A_31] : memref<327680xi32, #tpu.memory_space<hbm>> -> memref<128xi32, #tpu.memory_space<hbm>>
    %dma_start3A_33 = tpu.memref_slice %arg4[%add3A_31] : memref<327680xi32, #tpu.memory_space<hbm>> -> memref<128xi32, #tpu.memory_space<hbm>>
    tpu.enqueue_dma source(%dma_start3A_33 : memref<128xi32, #tpu.memory_space<hbm>>) target(%arg11 : memref<128xi32, #tpu.memory_space<vmem>>) target_semaphore(%arg21 : memref<!tpu.dma_semaphore, #tpu.memory_space<semaphore_mem>>)
    %add3A_34 = arith.constant 128 : i32
    %add3A_35 = arith.addi %mul3A_26, %add3A_34 : i32
    %dma_start3A_36 = tpu.memref_slice %arg3[%add3A_35] : memref<327680xi32, #tpu.memory_space<hbm>> -> memref<128xi32, #tpu.memory_space<hbm>>
    %dma_start3A_37 = tpu.memref_slice %arg3[%add3A_35] : memref<327680xi32, #tpu.memory_space<hbm>> -> memref<128xi32, #tpu.memory_space<hbm>>
    tpu.enqueue_dma source(%dma_start3A_37 : memref<128xi32, #tpu.memory_space<hbm>>) target(%arg8 : memref<128xi32, #tpu.memory_space<vmem>>) target_semaphore(%arg22 : memref<!tpu.dma_semaphore, #tpu.memory_space<semaphore_mem>>)
    %add3A_38 = arith.constant 128 : i32
    %add3A_39 = arith.addi %mul3A_26, %add3A_38 : i32
    %dma_start3A_40 = tpu.memref_slice %arg4[%add3A_39] : memref<327680xi32, #tpu.memory_space<hbm>> -> memref<128xi32, #tpu.memory_space<hbm>>
    %dma_start3A_41 = tpu.memref_slice %arg4[%add3A_39] : memref<327680xi32, #tpu.memory_space<hbm>> -> memref<128xi32, #tpu.memory_space<hbm>>
    tpu.enqueue_dma source(%dma_start3A_41 : memref<128xi32, #tpu.memory_space<hbm>>) target(%arg12 : memref<128xi32, #tpu.memory_space<vmem>>) target_semaphore(%arg22 : memref<!tpu.dma_semaphore, #tpu.memory_space<semaphore_mem>>)
    %add3A_42 = arith.constant 256 : i32
    %add3A_43 = arith.addi %mul3A_26, %add3A_42 : i32
    %dma_start3A_44 = tpu.memref_slice %arg3[%add3A_43] : memref<327680xi32, #tpu.memory_space<hbm>> -> memref<128xi32, #tpu.memory_space<hbm>>
    %dma_start3A_45 = tpu.memref_slice %arg3[%add3A_43] : memref<327680xi32, #tpu.memory_space<hbm>> -> memref<128xi32, #tpu.memory_space<hbm>>
    tpu.enqueue_dma source(%dma_start3A_45 : memref<128xi32, #tpu.memory_space<hbm>>) target(%arg9 : memref<128xi32, #tpu.memory_space<vmem>>) target_semaphore(%arg23 : memref<!tpu.dma_semaphore, #tpu.memory_space<semaphore_mem>>)
    %add3A_46 = arith.constant 256 : i32
    %add3A_47 = arith.addi %mul3A_26, %add3A_46 : i32
    %dma_start3A_48 = tpu.memref_slice %arg4[%add3A_47] : memref<327680xi32, #tpu.memory_space<hbm>> -> memref<128xi32, #tpu.memory_space<hbm>>
    %dma_start3A_49 = tpu.memref_slice %arg4[%add3A_47] : memref<327680xi32, #tpu.memory_space<hbm>> -> memref<128xi32, #tpu.memory_space<hbm>>
    tpu.enqueue_dma source(%dma_start3A_49 : memref<128xi32, #tpu.memory_space<hbm>>) target(%arg13 : memref<128xi32, #tpu.memory_space<vmem>>) target_semaphore(%arg23 : memref<!tpu.dma_semaphore, #tpu.memory_space<semaphore_mem>>)
    %add3A_50 = arith.constant 384 : i32
    %add3A_51 = arith.addi %mul3A_26, %add3A_50 : i32
    %dma_start3A_52 = tpu.memref_slice %arg3[%add3A_51] : memref<327680xi32, #tpu.memory_space<hbm>> -> memref<128xi32, #tpu.memory_space<hbm>>
    %dma_start3A_53 = tpu.memref_slice %arg3[%add3A_51] : memref<327680xi32, #tpu.memory_space<hbm>> -> memref<128xi32, #tpu.memory_space<hbm>>
    tpu.enqueue_dma source(%dma_start3A_53 : memref<128xi32, #tpu.memory_space<hbm>>) target(%arg10 : memref<128xi32, #tpu.memory_space<vmem>>) target_semaphore(%arg24 : memref<!tpu.dma_semaphore, #tpu.memory_space<semaphore_mem>>)
    %add3A_54 = arith.constant 384 : i32
    %add3A_55 = arith.addi %mul3A_26, %add3A_54 : i32
    %dma_start3A_56 = tpu.memref_slice %arg4[%add3A_55] : memref<327680xi32, #tpu.memory_space<hbm>> -> memref<128xi32, #tpu.memory_space<hbm>>
    %dma_start3A_57 = tpu.memref_slice %arg4[%add3A_55] : memref<327680xi32, #tpu.memory_space<hbm>> -> memref<128xi32, #tpu.memory_space<hbm>>
    tpu.enqueue_dma source(%dma_start3A_57 : memref<128xi32, #tpu.memory_space<hbm>>) target(%arg14 : memref<128xi32, #tpu.memory_space<vmem>>) target_semaphore(%arg24 : memref<!tpu.dma_semaphore, #tpu.memory_space<semaphore_mem>>)
    %scan3A_58 = arith.constant 0 : i32
    %scan3A_59 = arith.constant 40 : i32
    %scan3A_60 = arith.addi %scan3A_58, %scan3A_59 : i32
    %scan3A_61 = arith.constant 1 : i32
    scf.for %scan3A_74 = %scan3A_58 to %scan3A_60 step %scan3A_61  : i32 {
      %mul3A_75 = arith.constant 4 : i32
      %mul3A_76 = arith.muli %scan3A_74, %mul3A_75 : i32
      %add3A_77 = arith.constant 0 : i32
      %add3A_78 = arith.addi %mul3A_76, %add3A_77 : i32
      %mul3A_79 = arith.constant 128 : i32
      %mul3A_80 = arith.muli %add3A_78, %mul3A_79 : i32
      %add3A_81 = arith.addi %mul3A_26, %mul3A_80 : i32
      %dma_wait3A = tpu.memref_slice %arg3[%add3A_81] : memref<327680xi32, #tpu.memory_space<hbm>> -> memref<128xi32, #tpu.memory_space<hbm>>
      %dma_wait3A_82 = tpu.memref_slice %arg3[%add3A_81] : memref<327680xi32, #tpu.memory_space<hbm>> -> memref<128xi32, #tpu.memory_space<hbm>>
      tpu.wait_dma2 semaphore(%arg21 : memref<!tpu.dma_semaphore, #tpu.memory_space<semaphore_mem>>) src(%dma_wait3A_82 : memref<128xi32, #tpu.memory_space<hbm>>) dst(%arg7 : memref<128xi32, #tpu.memory_space<vmem>>)
      %mul3A_83 = arith.constant 128 : i32
      %mul3A_84 = arith.muli %add3A_78, %mul3A_83 : i32
      %add3A_85 = arith.addi %mul3A_26, %mul3A_84 : i32
      %dma_wait3A_86 = tpu.memref_slice %arg4[%add3A_85] : memref<327680xi32, #tpu.memory_space<hbm>> -> memref<128xi32, #tpu.memory_space<hbm>>
      %dma_wait3A_87 = tpu.memref_slice %arg4[%add3A_85] : memref<327680xi32, #tpu.memory_space<hbm>> -> memref<128xi32, #tpu.memory_space<hbm>>
      tpu.wait_dma2 semaphore(%arg21 : memref<!tpu.dma_semaphore, #tpu.memory_space<semaphore_mem>>) src(%dma_wait3A_87 : memref<128xi32, #tpu.memory_space<hbm>>) dst(%arg11 : memref<128xi32, #tpu.memory_space<vmem>>)
      %dma_start3A_88 = arith.constant 0 : i32
      %dma_start3A_89 = arith.constant 0 : i32
      %dma_start3A_90 = tpu.memref_slice %arg19[%dma_start3A_88, %dma_start3A_89] : memref<10240x64xf32, #tpu.memory_space<vmem_shared>> -> memref<10240x64xf32, #tpu.memory_space<vmem_shared>>
      tpu.enqueue_indirect_dma source(%dma_start3A_90 : memref<10240x64xf32, #tpu.memory_space<vmem_shared>>) target(%arg15 : memref<128x64xf32, #tpu.memory_space<vmem>>) offsets(%arg7 : memref<128xi32, #tpu.memory_space<vmem>>) semaphore(%arg25 : memref<!tpu.dma_semaphore, #tpu.memory_space<semaphore_mem>>)
      %mul3A_91 = arith.constant 4 : i32
      %mul3A_92 = arith.muli %scan3A_74, %mul3A_91 : i32
      %add3A_93 = arith.constant 1 : i32
      %add3A_94 = arith.addi %mul3A_92, %add3A_93 : i32
      %mul3A_95 = arith.constant 128 : i32
      %mul3A_96 = arith.muli %add3A_94, %mul3A_95 : i32
      %add3A_97 = arith.addi %mul3A_26, %mul3A_96 : i32
      %dma_wait3A_98 = tpu.memref_slice %arg3[%add3A_97] : memref<327680xi32, #tpu.memory_space<hbm>> -> memref<128xi32, #tpu.memory_space<hbm>>
      %dma_wait3A_99 = tpu.memref_slice %arg3[%add3A_97] : memref<327680xi32, #tpu.memory_space<hbm>> -> memref<128xi32, #tpu.memory_space<hbm>>
      tpu.wait_dma2 semaphore(%arg22 : memref<!tpu.dma_semaphore, #tpu.memory_space<semaphore_mem>>) src(%dma_wait3A_99 : memref<128xi32, #tpu.memory_space<hbm>>) dst(%arg8 : memref<128xi32, #tpu.memory_space<vmem>>)
      %mul3A_100 = arith.constant 128 : i32
      %mul3A_101 = arith.muli %add3A_94, %mul3A_100 : i32
      %add3A_102 = arith.addi %mul3A_26, %mul3A_101 : i32
      %dma_wait3A_103 = tpu.memref_slice %arg4[%add3A_102] : memref<327680xi32, #tpu.memory_space<hbm>> -> memref<128xi32, #tpu.memory_space<hbm>>
      %dma_wait3A_104 = tpu.memref_slice %arg4[%add3A_102] : memref<327680xi32, #tpu.memory_space<hbm>> -> memref<128xi32, #tpu.memory_space<hbm>>
      tpu.wait_dma2 semaphore(%arg22 : memref<!tpu.dma_semaphore, #tpu.memory_space<semaphore_mem>>) src(%dma_wait3A_104 : memref<128xi32, #tpu.memory_space<hbm>>) dst(%arg12 : memref<128xi32, #tpu.memory_space<vmem>>)
      %dma_start3A_105 = arith.constant 0 : i32
      %dma_start3A_106 = arith.constant 0 : i32
      %dma_start3A_107 = tpu.memref_slice %arg19[%dma_start3A_105, %dma_start3A_106] : memref<10240x64xf32, #tpu.memory_space<vmem_shared>> -> memref<10240x64xf32, #tpu.memory_space<vmem_shared>>
      tpu.enqueue_indirect_dma source(%dma_start3A_107 : memref<10240x64xf32, #tpu.memory_space<vmem_shared>>) target(%arg16 : memref<128x64xf32, #tpu.memory_space<vmem>>) offsets(%arg8 : memref<128xi32, #tpu.memory_space<vmem>>) semaphore(%arg26 : memref<!tpu.dma_semaphore, #tpu.memory_space<semaphore_mem>>)
      %mul3A_108 = arith.constant 4 : i32
      %mul3A_109 = arith.muli %scan3A_74, %mul3A_108 : i32
      %add3A_110 = arith.constant 2 : i32
      %add3A_111 = arith.addi %mul3A_109, %add3A_110 : i32
      %mul3A_112 = arith.constant 128 : i32
      %mul3A_113 = arith.muli %add3A_111, %mul3A_112 : i32
      %add3A_114 = arith.addi %mul3A_26, %mul3A_113 : i32
      %dma_wait3A_115 = tpu.memref_slice %arg3[%add3A_114] : memref<327680xi32, #tpu.memory_space<hbm>> -> memref<128xi32, #tpu.memory_space<hbm>>
      %dma_wait3A_116 = tpu.memref_slice %arg3[%add3A_114] : memref<327680xi32, #tpu.memory_space<hbm>> -> memref<128xi32, #tpu.memory_space<hbm>>
      tpu.wait_dma2 semaphore(%arg23 : memref<!tpu.dma_semaphore, #tpu.memory_space<semaphore_mem>>) src(%dma_wait3A_116 : memref<128xi32, #tpu.memory_space<hbm>>) dst(%arg9 : memref<128xi32, #tpu.memory_space<vmem>>)
      %mul3A_117 = arith.constant 128 : i32
      %mul3A_118 = arith.muli %add3A_111, %mul3A_117 : i32
      %add3A_119 = arith.addi %mul3A_26, %mul3A_118 : i32
      %dma_wait3A_120 = tpu.memref_slice %arg4[%add3A_119] : memref<327680xi32, #tpu.memory_space<hbm>> -> memref<128xi32, #tpu.memory_space<hbm>>
      %dma_wait3A_121 = tpu.memref_slice %arg4[%add3A_119] : memref<327680xi32, #tpu.memory_space<hbm>> -> memref<128xi32, #tpu.memory_space<hbm>>
      tpu.wait_dma2 semaphore(%arg23 : memref<!tpu.dma_semaphore, #tpu.memory_space<semaphore_mem>>) src(%dma_wait3A_121 : memref<128xi32, #tpu.memory_space<hbm>>) dst(%arg13 : memref<128xi32, #tpu.memory_space<vmem>>)
      %dma_start3A_122 = arith.constant 0 : i32
      %dma_start3A_123 = arith.constant 0 : i32
      %dma_start3A_124 = tpu.memref_slice %arg19[%dma_start3A_122, %dma_start3A_123] : memref<10240x64xf32, #tpu.memory_space<vmem_shared>> -> memref<10240x64xf32, #tpu.memory_space<vmem_shared>>
      tpu.enqueue_indirect_dma source(%dma_start3A_124 : memref<10240x64xf32, #tpu.memory_space<vmem_shared>>) target(%arg17 : memref<128x64xf32, #tpu.memory_space<vmem>>) offsets(%arg9 : memref<128xi32, #tpu.memory_space<vmem>>) semaphore(%arg27 : memref<!tpu.dma_semaphore, #tpu.memory_space<semaphore_mem>>)
      %mul3A_125 = arith.constant 4 : i32
      %mul3A_126 = arith.muli %scan3A_74, %mul3A_125 : i32
      %add3A_127 = arith.constant 3 : i32
      %add3A_128 = arith.addi %mul3A_126, %add3A_127 : i32
      %mul3A_129 = arith.constant 128 : i32
      %mul3A_130 = arith.muli %add3A_128, %mul3A_129 : i32
      %add3A_131 = arith.addi %mul3A_26, %mul3A_130 : i32
      %dma_wait3A_132 = tpu.memref_slice %arg3[%add3A_131] : memref<327680xi32, #tpu.memory_space<hbm>> -> memref<128xi32, #tpu.memory_space<hbm>>
      %dma_wait3A_133 = tpu.memref_slice %arg3[%add3A_131] : memref<327680xi32, #tpu.memory_space<hbm>> -> memref<128xi32, #tpu.memory_space<hbm>>
      tpu.wait_dma2 semaphore(%arg24 : memref<!tpu.dma_semaphore, #tpu.memory_space<semaphore_mem>>) src(%dma_wait3A_133 : memref<128xi32, #tpu.memory_space<hbm>>) dst(%arg10 : memref<128xi32, #tpu.memory_space<vmem>>)
      %mul3A_134 = arith.constant 128 : i32
      %mul3A_135 = arith.muli %add3A_128, %mul3A_134 : i32
      %add3A_136 = arith.addi %mul3A_26, %mul3A_135 : i32
      %dma_wait3A_137 = tpu.memref_slice %arg4[%add3A_136] : memref<327680xi32, #tpu.memory_space<hbm>> -> memref<128xi32, #tpu.memory_space<hbm>>
      %dma_wait3A_138 = tpu.memref_slice %arg4[%add3A_136] : memref<327680xi32, #tpu.memory_space<hbm>> -> memref<128xi32, #tpu.memory_space<hbm>>
      tpu.wait_dma2 semaphore(%arg24 : memref<!tpu.dma_semaphore, #tpu.memory_space<semaphore_mem>>) src(%dma_wait3A_138 : memref<128xi32, #tpu.memory_space<hbm>>) dst(%arg14 : memref<128xi32, #tpu.memory_space<vmem>>)
      %dma_start3A_139 = arith.constant 0 : i32
      %dma_start3A_140 = arith.constant 0 : i32
      %dma_start3A_141 = tpu.memref_slice %arg19[%dma_start3A_139, %dma_start3A_140] : memref<10240x64xf32, #tpu.memory_space<vmem_shared>> -> memref<10240x64xf32, #tpu.memory_space<vmem_shared>>
      tpu.enqueue_indirect_dma source(%dma_start3A_141 : memref<10240x64xf32, #tpu.memory_space<vmem_shared>>) target(%arg18 : memref<128x64xf32, #tpu.memory_space<vmem>>) offsets(%arg10 : memref<128xi32, #tpu.memory_space<vmem>>) semaphore(%arg28 : memref<!tpu.dma_semaphore, #tpu.memory_space<semaphore_mem>>)
      %mul3A_142 = arith.constant 4 : i32
      %mul3A_143 = arith.muli %scan3A_74, %mul3A_142 : i32
      %add3A_144 = arith.constant 0 : i32
      %add3A_145 = arith.addi %mul3A_143, %add3A_144 : i32
      %dma_wait3A_146 = arith.constant 0 : i32
      %dma_wait3A_147 = arith.constant 0 : i32
      %dma_wait3A_148 = tpu.memref_slice %arg19[%dma_wait3A_146, %dma_wait3A_147] : memref<10240x64xf32, #tpu.memory_space<vmem_shared>> -> memref<10240x64xf32, #tpu.memory_space<vmem_shared>>
      tpu.wait_indirect_dma semaphore(%arg25 : memref<!tpu.dma_semaphore, #tpu.memory_space<semaphore_mem>>) src(%dma_wait3A_148 : memref<10240x64xf32, #tpu.memory_space<vmem_shared>>) dst(%arg15 : memref<128x64xf32, #tpu.memory_space<vmem>>)
      "tpu.region"() ({
        %run_scoped3A = tpu.sem_alloc : memref<!tpu.dma_semaphore, #tpu.memory_space<semaphore_mem>>
        %dma_start3A_198 = arith.constant 0 : i32
        %dma_start3A_199 = arith.constant 0 : i32
        %dma_start3A_200 = tpu.memref_slice %arg20[%dma_start3A_198, %dma_start3A_199] : memref<10240x64xf32, #tpu.memory_space<vmem_shared>> -> memref<10240x64xf32, #tpu.memory_space<vmem_shared>>
        tpu.enqueue_indirect_dma source(%arg15 : memref<128x64xf32, #tpu.memory_space<vmem>>) target(%dma_start3A_200 : memref<10240x64xf32, #tpu.memory_space<vmem_shared>>) offsets(%arg11 : memref<128xi32, #tpu.memory_space<vmem>>) semaphore(%run_scoped3A : memref<!tpu.dma_semaphore, #tpu.memory_space<semaphore_mem>>) {add = true}
        %dma_wait3A_201 = arith.constant 0 : i32
        %dma_wait3A_202 = arith.constant 0 : i32
        %dma_wait3A_203 = tpu.memref_slice %arg20[%dma_wait3A_201, %dma_wait3A_202] : memref<10240x64xf32, #tpu.memory_space<vmem_shared>> -> memref<10240x64xf32, #tpu.memory_space<vmem_shared>>
        tpu.wait_indirect_dma semaphore(%run_scoped3A : memref<!tpu.dma_semaphore, #tpu.memory_space<semaphore_mem>>) src(%arg15 : memref<128x64xf32, #tpu.memory_space<vmem>>) dst(%dma_wait3A_203 : memref<10240x64xf32, #tpu.memory_space<vmem_shared>>)
        tpu.yield
      }) : () -> ()
      %add3A_149 = arith.constant 4 : i32
      %add3A_150 = arith.addi %add3A_145, %add3A_149 : i32
      %lt3A_151 = arith.constant 160 : i32
      %lt3A_152 = arith.cmpi slt, %add3A_150, %lt3A_151 : i32
      %convert_element_type3A_153 = arith.extui %lt3A_152 : i1 to i32
      %cond3A_154 = arith.constant 0 : i32
      %cond3A_155 = arith.cmpi ne, %convert_element_type3A_153, %cond3A_154 : i32
      scf.if %cond3A_155 {
        %add3A_198 = arith.constant 4 : i32
        %add3A_199 = arith.addi %add3A_145, %add3A_198 : i32
        %mul3A_200 = arith.constant 128 : i32
        %mul3A_201 = arith.muli %add3A_199, %mul3A_200 : i32
        %add3A_202 = arith.addi %mul3A_26, %mul3A_201 : i32
        %dma_start3A_203 = tpu.memref_slice %arg3[%add3A_202] : memref<327680xi32, #tpu.memory_space<hbm>> -> memref<128xi32, #tpu.memory_space<hbm>>
        %dma_start3A_204 = tpu.memref_slice %arg3[%add3A_202] : memref<327680xi32, #tpu.memory_space<hbm>> -> memref<128xi32, #tpu.memory_space<hbm>>
        tpu.enqueue_dma source(%dma_start3A_204 : memref<128xi32, #tpu.memory_space<hbm>>) target(%arg7 : memref<128xi32, #tpu.memory_space<vmem>>) target_semaphore(%arg21 : memref<!tpu.dma_semaphore, #tpu.memory_space<semaphore_mem>>)
        %mul3A_205 = arith.constant 128 : i32
        %mul3A_206 = arith.muli %add3A_199, %mul3A_205 : i32
        %add3A_207 = arith.addi %mul3A_26, %mul3A_206 : i32
        %dma_start3A_208 = tpu.memref_slice %arg4[%add3A_207] : memref<327680xi32, #tpu.memory_space<hbm>> -> memref<128xi32, #tpu.memory_space<hbm>>
        %dma_start3A_209 = tpu.memref_slice %arg4[%add3A_207] : memref<327680xi32, #tpu.memory_space<hbm>> -> memref<128xi32, #tpu.memory_space<hbm>>
        tpu.enqueue_dma source(%dma_start3A_209 : memref<128xi32, #tpu.memory_space<hbm>>) target(%arg11 : memref<128xi32, #tpu.memory_space<vmem>>) target_semaphore(%arg21 : memref<!tpu.dma_semaphore, #tpu.memory_space<semaphore_mem>>)
      } else {
      }
      %mul3A_156 = arith.constant 4 : i32
      %mul3A_157 = arith.muli %scan3A_74, %mul3A_156 : i32
      %add3A_158 = arith.constant 1 : i32
      %add3A_159 = arith.addi %mul3A_157, %add3A_158 : i32
      %dma_wait3A_160 = arith.constant 0 : i32
      %dma_wait3A_161 = arith.constant 0 : i32
      %dma_wait3A_162 = tpu.memref_slice %arg19[%dma_wait3A_160, %dma_wait3A_161] : memref<10240x64xf32, #tpu.memory_space<vmem_shared>> -> memref<10240x64xf32, #tpu.memory_space<vmem_shared>>
      tpu.wait_indirect_dma semaphore(%arg26 : memref<!tpu.dma_semaphore, #tpu.memory_space<semaphore_mem>>) src(%dma_wait3A_162 : memref<10240x64xf32, #tpu.memory_space<vmem_shared>>) dst(%arg16 : memref<128x64xf32, #tpu.memory_space<vmem>>)
      "tpu.region"() ({
        %run_scoped3A = tpu.sem_alloc : memref<!tpu.dma_semaphore, #tpu.memory_space<semaphore_mem>>
        %dma_start3A_198 = arith.constant 0 : i32
        %dma_start3A_199 = arith.constant 0 : i32
        %dma_start3A_200 = tpu.memref_slice %arg20[%dma_start3A_198, %dma_start3A_199] : memref<10240x64xf32, #tpu.memory_space<vmem_shared>> -> memref<10240x64xf32, #tpu.memory_space<vmem_shared>>
        tpu.enqueue_indirect_dma source(%arg16 : memref<128x64xf32, #tpu.memory_space<vmem>>) target(%dma_start3A_200 : memref<10240x64xf32, #tpu.memory_space<vmem_shared>>) offsets(%arg12 : memref<128xi32, #tpu.memory_space<vmem>>) semaphore(%run_scoped3A : memref<!tpu.dma_semaphore, #tpu.memory_space<semaphore_mem>>) {add = true}
        %dma_wait3A_201 = arith.constant 0 : i32
        %dma_wait3A_202 = arith.constant 0 : i32
        %dma_wait3A_203 = tpu.memref_slice %arg20[%dma_wait3A_201, %dma_wait3A_202] : memref<10240x64xf32, #tpu.memory_space<vmem_shared>> -> memref<10240x64xf32, #tpu.memory_space<vmem_shared>>
        tpu.wait_indirect_dma semaphore(%run_scoped3A : memref<!tpu.dma_semaphore, #tpu.memory_space<semaphore_mem>>) src(%arg16 : memref<128x64xf32, #tpu.memory_space<vmem>>) dst(%dma_wait3A_203 : memref<10240x64xf32, #tpu.memory_space<vmem_shared>>)
        tpu.yield
      }) : () -> ()
      %add3A_163 = arith.constant 4 : i32
      %add3A_164 = arith.addi %add3A_159, %add3A_163 : i32
      %lt3A_165 = arith.constant 160 : i32
      %lt3A_166 = arith.cmpi slt, %add3A_164, %lt3A_165 : i32
      %convert_element_type3A_167 = arith.extui %lt3A_166 : i1 to i32
      %cond3A_168 = arith.constant 0 : i32
      %cond3A_169 = arith.cmpi ne, %convert_element_type3A_167, %cond3A_168 : i32
      scf.if %cond3A_169 {
        %add3A_198 = arith.constant 4 : i32
        %add3A_199 = arith.addi %add3A_159, %add3A_198 : i32
        %mul3A_200 = arith.constant 128 : i32
        %mul3A_201 = arith.muli %add3A_199, %mul3A_200 : i32
        %add3A_202 = arith.addi %mul3A_26, %mul3A_201 : i32
        %dma_start3A_203 = tpu.memref_slice %arg3[%add3A_202] : memref<327680xi32, #tpu.memory_space<hbm>> -> memref<128xi32, #tpu.memory_space<hbm>>
        %dma_start3A_204 = tpu.memref_slice %arg3[%add3A_202] : memref<327680xi32, #tpu.memory_space<hbm>> -> memref<128xi32, #tpu.memory_space<hbm>>
        tpu.enqueue_dma source(%dma_start3A_204 : memref<128xi32, #tpu.memory_space<hbm>>) target(%arg8 : memref<128xi32, #tpu.memory_space<vmem>>) target_semaphore(%arg22 : memref<!tpu.dma_semaphore, #tpu.memory_space<semaphore_mem>>)
        %mul3A_205 = arith.constant 128 : i32
        %mul3A_206 = arith.muli %add3A_199, %mul3A_205 : i32
        %add3A_207 = arith.addi %mul3A_26, %mul3A_206 : i32
        %dma_start3A_208 = tpu.memref_slice %arg4[%add3A_207] : memref<327680xi32, #tpu.memory_space<hbm>> -> memref<128xi32, #tpu.memory_space<hbm>>
        %dma_start3A_209 = tpu.memref_slice %arg4[%add3A_207] : memref<327680xi32, #tpu.memory_space<hbm>> -> memref<128xi32, #tpu.memory_space<hbm>>
        tpu.enqueue_dma source(%dma_start3A_209 : memref<128xi32, #tpu.memory_space<hbm>>) target(%arg12 : memref<128xi32, #tpu.memory_space<vmem>>) target_semaphore(%arg22 : memref<!tpu.dma_semaphore, #tpu.memory_space<semaphore_mem>>)
      } else {
      }
      %mul3A_170 = arith.constant 4 : i32
      %mul3A_171 = arith.muli %scan3A_74, %mul3A_170 : i32
      %add3A_172 = arith.constant 2 : i32
      %add3A_173 = arith.addi %mul3A_171, %add3A_172 : i32
      %dma_wait3A_174 = arith.constant 0 : i32
      %dma_wait3A_175 = arith.constant 0 : i32
      %dma_wait3A_176 = tpu.memref_slice %arg19[%dma_wait3A_174, %dma_wait3A_175] : memref<10240x64xf32, #tpu.memory_space<vmem_shared>> -> memref<10240x64xf32, #tpu.memory_space<vmem_shared>>
      tpu.wait_indirect_dma semaphore(%arg27 : memref<!tpu.dma_semaphore, #tpu.memory_space<semaphore_mem>>) src(%dma_wait3A_176 : memref<10240x64xf32, #tpu.memory_space<vmem_shared>>) dst(%arg17 : memref<128x64xf32, #tpu.memory_space<vmem>>)
      "tpu.region"() ({
        %run_scoped3A = tpu.sem_alloc : memref<!tpu.dma_semaphore, #tpu.memory_space<semaphore_mem>>
        %dma_start3A_198 = arith.constant 0 : i32
        %dma_start3A_199 = arith.constant 0 : i32
        %dma_start3A_200 = tpu.memref_slice %arg20[%dma_start3A_198, %dma_start3A_199] : memref<10240x64xf32, #tpu.memory_space<vmem_shared>> -> memref<10240x64xf32, #tpu.memory_space<vmem_shared>>
        tpu.enqueue_indirect_dma source(%arg17 : memref<128x64xf32, #tpu.memory_space<vmem>>) target(%dma_start3A_200 : memref<10240x64xf32, #tpu.memory_space<vmem_shared>>) offsets(%arg13 : memref<128xi32, #tpu.memory_space<vmem>>) semaphore(%run_scoped3A : memref<!tpu.dma_semaphore, #tpu.memory_space<semaphore_mem>>) {add = true}
        %dma_wait3A_201 = arith.constant 0 : i32
        %dma_wait3A_202 = arith.constant 0 : i32
        %dma_wait3A_203 = tpu.memref_slice %arg20[%dma_wait3A_201, %dma_wait3A_202] : memref<10240x64xf32, #tpu.memory_space<vmem_shared>> -> memref<10240x64xf32, #tpu.memory_space<vmem_shared>>
        tpu.wait_indirect_dma semaphore(%run_scoped3A : memref<!tpu.dma_semaphore, #tpu.memory_space<semaphore_mem>>) src(%arg17 : memref<128x64xf32, #tpu.memory_space<vmem>>) dst(%dma_wait3A_203 : memref<10240x64xf32, #tpu.memory_space<vmem_shared>>)
        tpu.yield
      }) : () -> ()
      %add3A_177 = arith.constant 4 : i32
      %add3A_178 = arith.addi %add3A_173, %add3A_177 : i32
      %lt3A_179 = arith.constant 160 : i32
      %lt3A_180 = arith.cmpi slt, %add3A_178, %lt3A_179 : i32
      %convert_element_type3A_181 = arith.extui %lt3A_180 : i1 to i32
      %cond3A_182 = arith.constant 0 : i32
      %cond3A_183 = arith.cmpi ne, %convert_element_type3A_181, %cond3A_182 : i32
      scf.if %cond3A_183 {
        %add3A_198 = arith.constant 4 : i32
        %add3A_199 = arith.addi %add3A_173, %add3A_198 : i32
        %mul3A_200 = arith.constant 128 : i32
        %mul3A_201 = arith.muli %add3A_199, %mul3A_200 : i32
        %add3A_202 = arith.addi %mul3A_26, %mul3A_201 : i32
        %dma_start3A_203 = tpu.memref_slice %arg3[%add3A_202] : memref<327680xi32, #tpu.memory_space<hbm>> -> memref<128xi32, #tpu.memory_space<hbm>>
        %dma_start3A_204 = tpu.memref_slice %arg3[%add3A_202] : memref<327680xi32, #tpu.memory_space<hbm>> -> memref<128xi32, #tpu.memory_space<hbm>>
        tpu.enqueue_dma source(%dma_start3A_204 : memref<128xi32, #tpu.memory_space<hbm>>) target(%arg9 : memref<128xi32, #tpu.memory_space<vmem>>) target_semaphore(%arg23 : memref<!tpu.dma_semaphore, #tpu.memory_space<semaphore_mem>>)
        %mul3A_205 = arith.constant 128 : i32
        %mul3A_206 = arith.muli %add3A_199, %mul3A_205 : i32
        %add3A_207 = arith.addi %mul3A_26, %mul3A_206 : i32
        %dma_start3A_208 = tpu.memref_slice %arg4[%add3A_207] : memref<327680xi32, #tpu.memory_space<hbm>> -> memref<128xi32, #tpu.memory_space<hbm>>
        %dma_start3A_209 = tpu.memref_slice %arg4[%add3A_207] : memref<327680xi32, #tpu.memory_space<hbm>> -> memref<128xi32, #tpu.memory_space<hbm>>
        tpu.enqueue_dma source(%dma_start3A_209 : memref<128xi32, #tpu.memory_space<hbm>>) target(%arg13 : memref<128xi32, #tpu.memory_space<vmem>>) target_semaphore(%arg23 : memref<!tpu.dma_semaphore, #tpu.memory_space<semaphore_mem>>)
      } else {
      }
      %mul3A_184 = arith.constant 4 : i32
      %mul3A_185 = arith.muli %scan3A_74, %mul3A_184 : i32
      %add3A_186 = arith.constant 3 : i32
      %add3A_187 = arith.addi %mul3A_185, %add3A_186 : i32
      %dma_wait3A_188 = arith.constant 0 : i32
      %dma_wait3A_189 = arith.constant 0 : i32
      %dma_wait3A_190 = tpu.memref_slice %arg19[%dma_wait3A_188, %dma_wait3A_189] : memref<10240x64xf32, #tpu.memory_space<vmem_shared>> -> memref<10240x64xf32, #tpu.memory_space<vmem_shared>>
      tpu.wait_indirect_dma semaphore(%arg28 : memref<!tpu.dma_semaphore, #tpu.memory_space<semaphore_mem>>) src(%dma_wait3A_190 : memref<10240x64xf32, #tpu.memory_space<vmem_shared>>) dst(%arg18 : memref<128x64xf32, #tpu.memory_space<vmem>>)
      "tpu.region"() ({
        %run_scoped3A = tpu.sem_alloc : memref<!tpu.dma_semaphore, #tpu.memory_space<semaphore_mem>>
        %dma_start3A_198 = arith.constant 0 : i32
        %dma_start3A_199 = arith.constant 0 : i32
        %dma_start3A_200 = tpu.memref_slice %arg20[%dma_start3A_198, %dma_start3A_199] : memref<10240x64xf32, #tpu.memory_space<vmem_shared>> -> memref<10240x64xf32, #tpu.memory_space<vmem_shared>>
        tpu.enqueue_indirect_dma source(%arg18 : memref<128x64xf32, #tpu.memory_space<vmem>>) target(%dma_start3A_200 : memref<10240x64xf32, #tpu.memory_space<vmem_shared>>) offsets(%arg14 : memref<128xi32, #tpu.memory_space<vmem>>) semaphore(%run_scoped3A : memref<!tpu.dma_semaphore, #tpu.memory_space<semaphore_mem>>) {add = true}
        %dma_wait3A_201 = arith.constant 0 : i32
        %dma_wait3A_202 = arith.constant 0 : i32
        %dma_wait3A_203 = tpu.memref_slice %arg20[%dma_wait3A_201, %dma_wait3A_202] : memref<10240x64xf32, #tpu.memory_space<vmem_shared>> -> memref<10240x64xf32, #tpu.memory_space<vmem_shared>>
        tpu.wait_indirect_dma semaphore(%run_scoped3A : memref<!tpu.dma_semaphore, #tpu.memory_space<semaphore_mem>>) src(%arg18 : memref<128x64xf32, #tpu.memory_space<vmem>>) dst(%dma_wait3A_203 : memref<10240x64xf32, #tpu.memory_space<vmem_shared>>)
        tpu.yield
      }) : () -> ()
      %add3A_191 = arith.constant 4 : i32
      %add3A_192 = arith.addi %add3A_187, %add3A_191 : i32
      %lt3A_193 = arith.constant 160 : i32
      %lt3A_194 = arith.cmpi slt, %add3A_192, %lt3A_193 : i32
      %convert_element_type3A_195 = arith.extui %lt3A_194 : i1 to i32
      %cond3A_196 = arith.constant 0 : i32
      %cond3A_197 = arith.cmpi ne, %convert_element_type3A_195, %cond3A_196 : i32
      scf.if %cond3A_197 {
        %add3A_198 = arith.constant 4 : i32
        %add3A_199 = arith.addi %add3A_187, %add3A_198 : i32
        %mul3A_200 = arith.constant 128 : i32
        %mul3A_201 = arith.muli %add3A_199, %mul3A_200 : i32
        %add3A_202 = arith.addi %mul3A_26, %mul3A_201 : i32
        %dma_start3A_203 = tpu.memref_slice %arg3[%add3A_202] : memref<327680xi32, #tpu.memory_space<hbm>> -> memref<128xi32, #tpu.memory_space<hbm>>
        %dma_start3A_204 = tpu.memref_slice %arg3[%add3A_202] : memref<327680xi32, #tpu.memory_space<hbm>> -> memref<128xi32, #tpu.memory_space<hbm>>
        tpu.enqueue_dma source(%dma_start3A_204 : memref<128xi32, #tpu.memory_space<hbm>>) target(%arg10 : memref<128xi32, #tpu.memory_space<vmem>>) target_semaphore(%arg24 : memref<!tpu.dma_semaphore, #tpu.memory_space<semaphore_mem>>)
        %mul3A_205 = arith.constant 128 : i32
        %mul3A_206 = arith.muli %add3A_199, %mul3A_205 : i32
        %add3A_207 = arith.addi %mul3A_26, %mul3A_206 : i32
        %dma_start3A_208 = tpu.memref_slice %arg4[%add3A_207] : memref<327680xi32, #tpu.memory_space<hbm>> -> memref<128xi32, #tpu.memory_space<hbm>>
        %dma_start3A_209 = tpu.memref_slice %arg4[%add3A_207] : memref<327680xi32, #tpu.memory_space<hbm>> -> memref<128xi32, #tpu.memory_space<hbm>>
        tpu.enqueue_dma source(%dma_start3A_209 : memref<128xi32, #tpu.memory_space<hbm>>) target(%arg14 : memref<128xi32, #tpu.memory_space<vmem>>) target_semaphore(%arg24 : memref<!tpu.dma_semaphore, #tpu.memory_space<semaphore_mem>>)
      } else {
      }
    }
    %scan3A_62 = arith.constant 40 : i32
    %barrier3A_63 = arith.constant 0 : index
    tpu.barrier barrier_id(%barrier3A_63)
    %eq3A_64 = arith.constant 0 : i32
    %eq3A_65 = arith.cmpi eq, %arg0, %eq3A_64 : i32
    %convert_element_type3A_66 = arith.extui %eq3A_65 : i1 to i32
    %cond3A_67 = arith.constant 0 : i32
    %cond3A_68 = arith.cmpi ne, %convert_element_type3A_66, %cond3A_67 : i32
    scf.if %cond3A_68 {
      "tpu.region"() ({
        %run_scoped3A = tpu.sem_alloc : memref<!tpu.dma_semaphore, #tpu.memory_space<semaphore_mem>>
        %dma_start3A_74 = arith.constant 0 : i32
        %dma_start3A_75 = tpu.memref_slice %arg5[%mul3A_3, %dma_start3A_74] : memref<10240x64xf32, #tpu.memory_space<hbm>> -> memref<640x64xf32, #tpu.memory_space<hbm>>
        %dma_start3A_76 = arith.constant 0 : i32
        %dma_start3A_77 = tpu.memref_slice %arg20[%mul3A_3, %dma_start3A_76] : memref<10240x64xf32, #tpu.memory_space<vmem_shared>> -> memref<640x64xf32, #tpu.memory_space<vmem_shared>>
        tpu.enqueue_dma source(%dma_start3A_77 : memref<640x64xf32, #tpu.memory_space<vmem_shared>>) target(%dma_start3A_75 : memref<640x64xf32, #tpu.memory_space<hbm>>) target_semaphore(%run_scoped3A : memref<!tpu.dma_semaphore, #tpu.memory_space<semaphore_mem>>)
        %dma_wait3A = arith.constant 0 : i32
        %dma_wait3A_78 = tpu.memref_slice %arg5[%mul3A_3, %dma_wait3A] : memref<10240x64xf32, #tpu.memory_space<hbm>> -> memref<640x64xf32, #tpu.memory_space<hbm>>
        %dma_wait3A_79 = arith.constant 0 : i32
        %dma_wait3A_80 = tpu.memref_slice %arg20[%mul3A_3, %dma_wait3A_79] : memref<10240x64xf32, #tpu.memory_space<vmem_shared>> -> memref<640x64xf32, #tpu.memory_space<vmem_shared>>
        tpu.wait_dma2 semaphore(%run_scoped3A : memref<!tpu.dma_semaphore, #tpu.memory_space<semaphore_mem>>) src(%dma_wait3A_80 : memref<640x64xf32, #tpu.memory_space<vmem_shared>>) dst(%dma_wait3A_78 : memref<640x64xf32, #tpu.memory_space<hbm>>)
        tpu.yield
      }) : () -> ()
    } else {
    }
    %eq3A_69 = arith.constant 1 : i32
    %eq3A_70 = arith.cmpi eq, %arg0, %eq3A_69 : i32
    %convert_element_type3A_71 = arith.extui %eq3A_70 : i1 to i32
    %cond3A_72 = arith.constant 0 : i32
    %cond3A_73 = arith.cmpi ne, %convert_element_type3A_71, %cond3A_72 : i32
    scf.if %cond3A_73 {
      "tpu.region"() ({
        %run_scoped3A = tpu.sem_alloc : memref<!tpu.dma_semaphore, #tpu.memory_space<semaphore_mem>>
        %dma_start3A_74 = arith.constant 0 : i32
        %dma_start3A_75 = tpu.memref_slice %arg6[%mul3A_3, %dma_start3A_74] : memref<10240x64xf32, #tpu.memory_space<hbm>> -> memref<640x64xf32, #tpu.memory_space<hbm>>
        %dma_start3A_76 = arith.constant 0 : i32
        %dma_start3A_77 = tpu.memref_slice %arg20[%mul3A_3, %dma_start3A_76] : memref<10240x64xf32, #tpu.memory_space<vmem_shared>> -> memref<640x64xf32, #tpu.memory_space<vmem_shared>>
        tpu.enqueue_dma source(%dma_start3A_77 : memref<640x64xf32, #tpu.memory_space<vmem_shared>>) target(%dma_start3A_75 : memref<640x64xf32, #tpu.memory_space<hbm>>) target_semaphore(%run_scoped3A : memref<!tpu.dma_semaphore, #tpu.memory_space<semaphore_mem>>)
        %dma_wait3A = arith.constant 0 : i32
        %dma_wait3A_78 = tpu.memref_slice %arg6[%mul3A_3, %dma_wait3A] : memref<10240x64xf32, #tpu.memory_space<hbm>> -> memref<640x64xf32, #tpu.memory_space<hbm>>
        %dma_wait3A_79 = arith.constant 0 : i32
        %dma_wait3A_80 = tpu.memref_slice %arg20[%mul3A_3, %dma_wait3A_79] : memref<10240x64xf32, #tpu.memory_space<vmem_shared>> -> memref<640x64xf32, #tpu.memory_space<vmem_shared>>
        tpu.wait_dma2 semaphore(%run_scoped3A : memref<!tpu.dma_semaphore, #tpu.memory_space<semaphore_mem>>) src(%dma_wait3A_80 : memref<640x64xf32, #tpu.memory_space<vmem_shared>>) dst(%dma_wait3A_78 : memref<640x64xf32, #tpu.memory_space<hbm>>)
        tpu.yield
      }) : () -> ()
    } else {
    }
    return
  }
}

#map = affine_map<(d0, d1) -> (0, 0)>
#map1 = affine_map<(d0, d1) -> (0)>
module attributes {stable_mosaic.version = 14 : i64} {
  func.func @_sc_agg_body(%arg0: i32, %arg1: i32, %arg2: memref<10000x128xf32, #tpu.memory_space<hbm>>, %arg3: memref<327680xi32, #tpu.memory_space<hbm>>, %arg4: memref<327680xi32, #tpu.memory_space<hbm>>, %arg5: memref<10240x64xf32, #tpu.memory_space<hbm>>, %arg6: memref<10240x64xf32, #tpu.memory_space<hbm>>, %arg7: memref<10240xf32, #tpu.memory_space<hbm>>, %arg8: memref<10240xf32, #tpu.memory_space<hbm>>, %arg9: memref<128xi32, #tpu.memory_space<vmem>>, %arg10: memref<128xi32, #tpu.memory_space<vmem>>, %arg11: memref<128xi32, #tpu.memory_space<vmem>>, %arg12: memref<128xi32, #tpu.memory_space<vmem>>, %arg13: memref<128xi32, #tpu.memory_space<vmem>>, %arg14: memref<128xi32, #tpu.memory_space<vmem>>, %arg15: memref<128xi32, #tpu.memory_space<vmem>>, %arg16: memref<128xi32, #tpu.memory_space<vmem>>, %arg17: memref<128x64xf32, #tpu.memory_space<vmem>>, %arg18: memref<128x64xf32, #tpu.memory_space<vmem>>, %arg19: memref<128x64xf32, #tpu.memory_space<vmem>>, %arg20: memref<128x64xf32, #tpu.memory_space<vmem>>, %arg21: memref<128xf32, #tpu.memory_space<vmem>>, %arg22: memref<640xf32, #tpu.memory_space<vmem>>, %arg23: memref<10240x64xf32, #tpu.memory_space<vmem_shared>>, %arg24: memref<10240x64xf32, #tpu.memory_space<vmem_shared>>, %arg25: memref<10240xf32, #tpu.memory_space<vmem_shared>>, %arg26: memref<!tpu.dma_semaphore, #tpu.memory_space<semaphore_mem>>, %arg27: memref<!tpu.dma_semaphore, #tpu.memory_space<semaphore_mem>>, %arg28: memref<!tpu.dma_semaphore, #tpu.memory_space<semaphore_mem>>, %arg29: memref<!tpu.dma_semaphore, #tpu.memory_space<semaphore_mem>>, %arg30: memref<!tpu.dma_semaphore, #tpu.memory_space<semaphore_mem>>, %arg31: memref<!tpu.dma_semaphore, #tpu.memory_space<semaphore_mem>>, %arg32: memref<!tpu.dma_semaphore, #tpu.memory_space<semaphore_mem>>, %arg33: memref<!tpu.dma_semaphore, #tpu.memory_space<semaphore_mem>>) attributes {dimension_semantics = [#tpu.dimension_semantics<core_parallel>, #tpu.dimension_semantics<subcore_parallel>], iteration_bounds = array<i64: 2, 16>, scalar_prefetch = 0 : i64, scratch_operands = 25 : i64, tpu.core_type = #tpu.core_type<sc_vector_subcore>, window_params = [{transform_indices = #map}, {transform_indices = #map1}, {transform_indices = #map1}, {transform_indices = #map}, {transform_indices = #map}, {transform_indices = #map1}, {transform_indices = #map1}]} {
    %broadcast_in_dim3A = arith.constant 0.000000e+00 : f32
    %broadcast_in_dim3A_0 = vector.broadcast %broadcast_in_dim3A : f32 to vector<16xf32>
    %broadcast_in_dim3A_1 = arith.constant 1.000000e+00 : f32
    %broadcast_in_dim3A_2 = vector.broadcast %broadcast_in_dim3A_1 : f32 to vector<16xf32>
    %mul3A = arith.constant 640 : i32
    %mul3A_3 = arith.muli %arg1, %mul3A : i32
    %mul3A_4 = arith.constant 64 : i32
    %mul3A_5 = arith.muli %arg0, %mul3A_4 : i32
    %lt3A = arith.constant 15 : i32
    %lt3A_6 = arith.cmpi slt, %arg1, %lt3A : i32
    %convert_element_type3A = arith.extui %lt3A_6 : i1 to i32
    %cond3A = arith.constant 0 : i32
    %cond3A_7 = arith.cmpi ne, %convert_element_type3A, %cond3A : i32
    scf.if %cond3A_7 {
      "tpu.region"() ({
        %run_scoped3A = tpu.sem_alloc : memref<!tpu.dma_semaphore, #tpu.memory_space<semaphore_mem>>
        %dma_start3A_84 = arith.constant 0 : i32
        %dma_start3A_85 = tpu.memref_slice %arg23[%mul3A_3, %dma_start3A_84] : memref<10240x64xf32, #tpu.memory_space<vmem_shared>> -> memref<640x64xf32, #tpu.memory_space<vmem_shared>>
        %dma_start3A_86 = tpu.memref_slice %arg2[%mul3A_3, %mul3A_5] : memref<10000x128xf32, #tpu.memory_space<hbm>> -> memref<640x64xf32, #tpu.memory_space<hbm>>
        tpu.enqueue_dma source(%dma_start3A_86 : memref<640x64xf32, #tpu.memory_space<hbm>>) target(%dma_start3A_85 : memref<640x64xf32, #tpu.memory_space<vmem_shared>>) target_semaphore(%run_scoped3A : memref<!tpu.dma_semaphore, #tpu.memory_space<semaphore_mem>>)
        %dma_wait3A = arith.constant 0 : i32
        %dma_wait3A_87 = tpu.memref_slice %arg23[%mul3A_3, %dma_wait3A] : memref<10240x64xf32, #tpu.memory_space<vmem_shared>> -> memref<640x64xf32, #tpu.memory_space<vmem_shared>>
        %dma_wait3A_88 = tpu.memref_slice %arg2[%mul3A_3, %mul3A_5] : memref<10000x128xf32, #tpu.memory_space<hbm>> -> memref<640x64xf32, #tpu.memory_space<hbm>>
        tpu.wait_dma2 semaphore(%run_scoped3A : memref<!tpu.dma_semaphore, #tpu.memory_space<semaphore_mem>>) src(%dma_wait3A_88 : memref<640x64xf32, #tpu.memory_space<hbm>>) dst(%dma_wait3A_87 : memref<640x64xf32, #tpu.memory_space<vmem_shared>>)
        tpu.yield
      }) : () -> ()
    } else {
    }
    %eq3A = arith.constant 15 : i32
    %eq3A_8 = arith.cmpi eq, %arg1, %eq3A : i32
    %convert_element_type3A_9 = arith.extui %eq3A_8 : i1 to i32
    %cond3A_10 = arith.constant 0 : i32
    %cond3A_11 = arith.cmpi ne, %convert_element_type3A_9, %cond3A_10 : i32
    scf.if %cond3A_11 {
      "tpu.region"() ({
        %run_scoped3A = tpu.sem_alloc : memref<!tpu.dma_semaphore, #tpu.memory_space<semaphore_mem>>
        %dma_start3A_84 = arith.constant 0 : i32
        %dma_start3A_85 = tpu.memref_slice %arg23[%mul3A_3, %dma_start3A_84] : memref<10240x64xf32, #tpu.memory_space<vmem_shared>> -> memref<400x64xf32, #tpu.memory_space<vmem_shared>>
        %dma_start3A_86 = tpu.memref_slice %arg2[%mul3A_3, %mul3A_5] : memref<10000x128xf32, #tpu.memory_space<hbm>> -> memref<400x64xf32, #tpu.memory_space<hbm>>
        tpu.enqueue_dma source(%dma_start3A_86 : memref<400x64xf32, #tpu.memory_space<hbm>>) target(%dma_start3A_85 : memref<400x64xf32, #tpu.memory_space<vmem_shared>>) target_semaphore(%run_scoped3A : memref<!tpu.dma_semaphore, #tpu.memory_space<semaphore_mem>>)
        %dma_wait3A = arith.constant 0 : i32
        %dma_wait3A_87 = tpu.memref_slice %arg23[%mul3A_3, %dma_wait3A] : memref<10240x64xf32, #tpu.memory_space<vmem_shared>> -> memref<400x64xf32, #tpu.memory_space<vmem_shared>>
        %dma_wait3A_88 = tpu.memref_slice %arg2[%mul3A_3, %mul3A_5] : memref<10000x128xf32, #tpu.memory_space<hbm>> -> memref<400x64xf32, #tpu.memory_space<hbm>>
        tpu.wait_dma2 semaphore(%run_scoped3A : memref<!tpu.dma_semaphore, #tpu.memory_space<semaphore_mem>>) src(%dma_wait3A_88 : memref<400x64xf32, #tpu.memory_space<hbm>>) dst(%dma_wait3A_87 : memref<400x64xf32, #tpu.memory_space<vmem_shared>>)
        tpu.yield
      }) : () -> ()
    } else {
    }
    %scan3A = arith.constant 0 : i32
    %scan3A_12 = arith.constant 128 : i32
    %scan3A_13 = arith.addi %scan3A, %scan3A_12 : i32
    %scan3A_14 = arith.constant 1 : i32
    scf.for %scan3A_84 = %scan3A to %scan3A_13 step %scan3A_14  : i32 {
      %swap3A = arith.index_cast %scan3A_84 : i32 to index
      %swap3A_85 = arith.constant 0 : index
      %swap3A_86 = tpu.vector_load %arg17[%swap3A, %swap3A_85] {strides = array<i32>} : memref<128x64xf32, #tpu.memory_space<vmem>>, vector<1x16xf32>,
      %swap3A_87 = vector.shape_cast %swap3A_86 : vector<1x16xf32> to vector<16xf32>
      %swap3A_88 = vector.shape_cast %broadcast_in_dim3A_0 : vector<16xf32> to vector<1x16xf32>
      tpu.vector_store %arg17[%swap3A, %swap3A_85], %swap3A_88 {strides = array<i32>} : memref<128x64xf32, #tpu.memory_space<vmem>>, vector<1x16xf32>,
      %swap3A_89 = arith.index_cast %scan3A_84 : i32 to index
      %swap3A_90 = arith.constant 16 : index
      %swap3A_91 = tpu.vector_load %arg17[%swap3A_89, %swap3A_90] {strides = array<i32>} : memref<128x64xf32, #tpu.memory_space<vmem>>, vector<1x16xf32>,
      %swap3A_92 = vector.shape_cast %swap3A_91 : vector<1x16xf32> to vector<16xf32>
      %swap3A_93 = vector.shape_cast %broadcast_in_dim3A_0 : vector<16xf32> to vector<1x16xf32>
      tpu.vector_store %arg17[%swap3A_89, %swap3A_90], %swap3A_93 {strides = array<i32>} : memref<128x64xf32, #tpu.memory_space<vmem>>, vector<1x16xf32>,
      %swap3A_94 = arith.index_cast %scan3A_84 : i32 to index
      %swap3A_95 = arith.constant 32 : index
      %swap3A_96 = tpu.vector_load %arg17[%swap3A_94, %swap3A_95] {strides = array<i32>} : memref<128x64xf32, #tpu.memory_space<vmem>>, vector<1x16xf32>,
      %swap3A_97 = vector.shape_cast %swap3A_96 : vector<1x16xf32> to vector<16xf32>
      %swap3A_98 = vector.shape_cast %broadcast_in_dim3A_0 : vector<16xf32> to vector<1x16xf32>
      tpu.vector_store %arg17[%swap3A_94, %swap3A_95], %swap3A_98 {strides = array<i32>} : memref<128x64xf32, #tpu.memory_space<vmem>>, vector<1x16xf32>,
      %swap3A_99 = arith.index_cast %scan3A_84 : i32 to index
      %swap3A_100 = arith.constant 48 : index
      %swap3A_101 = tpu.vector_load %arg17[%swap3A_99, %swap3A_100] {strides = array<i32>} : memref<128x64xf32, #tpu.memory_space<vmem>>, vector<1x16xf32>,
      %swap3A_102 = vector.shape_cast %swap3A_101 : vector<1x16xf32> to vector<16xf32>
      %swap3A_103 = vector.shape_cast %broadcast_in_dim3A_0 : vector<16xf32> to vector<1x16xf32>
      tpu.vector_store %arg17[%swap3A_99, %swap3A_100], %swap3A_103 {strides = array<i32>} : memref<128x64xf32, #tpu.memory_space<vmem>>, vector<1x16xf32>,
    }
    %scan3A_15 = arith.constant 128 : i32
    %scan3A_16 = arith.constant 0 : i32
    %scan3A_17 = arith.constant 40 : i32
    %scan3A_18 = arith.addi %scan3A_16, %scan3A_17 : i32
    %scan3A_19 = arith.constant 1 : i32
    scf.for %scan3A_84 = %scan3A_16 to %scan3A_18 step %scan3A_19  : i32 {
      %mul3A_85 = arith.constant 16 : i32
      %mul3A_86 = arith.muli %scan3A_84, %mul3A_85 : i32
      %swap3A = arith.index_cast %mul3A_86 : i32 to index
      %swap3A_87 = tpu.vector_load %arg22[%swap3A] {strides = array<i32>} : memref<640xf32, #tpu.memory_space<vmem>>, vector<16xf32>,
      %swap3A_88 = vector.shape_cast %swap3A_87 : vector<16xf32> to vector<16xf32>
      %swap3A_89 = vector.shape_cast %broadcast_in_dim3A_0 : vector<16xf32> to vector<16xf32>
      tpu.vector_store %arg22[%swap3A], %swap3A_89 {strides = array<i32>} : memref<640xf32, #tpu.memory_space<vmem>>, vector<16xf32>,
    }
    %scan3A_20 = arith.constant 40 : i32
    %scan3A_21 = arith.constant 0 : i32
    %scan3A_22 = arith.constant 8 : i32
    %scan3A_23 = arith.addi %scan3A_21, %scan3A_22 : i32
    %scan3A_24 = arith.constant 1 : i32
    scf.for %scan3A_84 = %scan3A_21 to %scan3A_23 step %scan3A_24  : i32 {
      %mul3A_85 = arith.constant 16 : i32
      %mul3A_86 = arith.muli %scan3A_84, %mul3A_85 : i32
      %swap3A = arith.index_cast %mul3A_86 : i32 to index
      %swap3A_87 = tpu.vector_load %arg21[%swap3A] {strides = array<i32>} : memref<128xf32, #tpu.memory_space<vmem>>, vector<16xf32>,
      %swap3A_88 = vector.shape_cast %swap3A_87 : vector<16xf32> to vector<16xf32>
      %swap3A_89 = vector.shape_cast %broadcast_in_dim3A_2 : vector<16xf32> to vector<16xf32>
      tpu.vector_store %arg21[%swap3A], %swap3A_89 {strides = array<i32>} : memref<128xf32, #tpu.memory_space<vmem>>, vector<16xf32>,
    }
    %scan3A_25 = arith.constant 8 : i32
    %add3A = arith.constant 0 : i32
    %add3A_26 = arith.addi %mul3A_3, %add3A : i32
    "tpu.region"() ({
      %run_scoped3A = tpu.sem_alloc : memref<!tpu.dma_semaphore, #tpu.memory_space<semaphore_mem>>
      %dma_start3A_84 = arith.constant 0 : i32
      %dma_start3A_85 = tpu.memref_slice %arg24[%add3A_26, %dma_start3A_84] : memref<10240x64xf32, #tpu.memory_space<vmem_shared>> -> memref<128x64xf32, #tpu.memory_space<vmem_shared>>
      %dma_start3A_86 = arith.constant 0 : i32
      %dma_start3A_87 = tpu.memref_slice %arg24[%add3A_26, %dma_start3A_86] : memref<10240x64xf32, #tpu.memory_space<vmem_shared>> -> memref<128x64xf32, #tpu.memory_space<vmem_shared>>
      tpu.enqueue_dma source(%arg17 : memref<128x64xf32, #tpu.memory_space<vmem>>) target(%dma_start3A_87 : memref<128x64xf32, #tpu.memory_space<vmem_shared>>) target_semaphore(%run_scoped3A : memref<!tpu.dma_semaphore, #tpu.memory_space<semaphore_mem>>)
      %dma_wait3A = arith.constant 0 : i32
      %dma_wait3A_88 = tpu.memref_slice %arg24[%add3A_26, %dma_wait3A] : memref<10240x64xf32, #tpu.memory_space<vmem_shared>> -> memref<128x64xf32, #tpu.memory_space<vmem_shared>>
      %dma_wait3A_89 = arith.constant 0 : i32
      %dma_wait3A_90 = tpu.memref_slice %arg24[%add3A_26, %dma_wait3A_89] : memref<10240x64xf32, #tpu.memory_space<vmem_shared>> -> memref<128x64xf32, #tpu.memory_space<vmem_shared>>
      tpu.wait_dma2 semaphore(%run_scoped3A : memref<!tpu.dma_semaphore, #tpu.memory_space<semaphore_mem>>) src(%arg17 : memref<128x64xf32, #tpu.memory_space<vmem>>) dst(%dma_wait3A_90 : memref<128x64xf32, #tpu.memory_space<vmem_shared>>)
      tpu.yield
    }) : () -> ()
    %add3A_27 = arith.constant 128 : i32
    %add3A_28 = arith.addi %mul3A_3, %add3A_27 : i32
    "tpu.region"() ({
      %run_scoped3A = tpu.sem_alloc : memref<!tpu.dma_semaphore, #tpu.memory_space<semaphore_mem>>
      %dma_start3A_84 = arith.constant 0 : i32
      %dma_start3A_85 = tpu.memref_slice %arg24[%add3A_28, %dma_start3A_84] : memref<10240x64xf32, #tpu.memory_space<vmem_shared>> -> memref<128x64xf32, #tpu.memory_space<vmem_shared>>
      %dma_start3A_86 = arith.constant 0 : i32
      %dma_start3A_87 = tpu.memref_slice %arg24[%add3A_28, %dma_start3A_86] : memref<10240x64xf32, #tpu.memory_space<vmem_shared>> -> memref<128x64xf32, #tpu.memory_space<vmem_shared>>
      tpu.enqueue_dma source(%arg17 : memref<128x64xf32, #tpu.memory_space<vmem>>) target(%dma_start3A_87 : memref<128x64xf32, #tpu.memory_space<vmem_shared>>) target_semaphore(%run_scoped3A : memref<!tpu.dma_semaphore, #tpu.memory_space<semaphore_mem>>)
      %dma_wait3A = arith.constant 0 : i32
      %dma_wait3A_88 = tpu.memref_slice %arg24[%add3A_28, %dma_wait3A] : memref<10240x64xf32, #tpu.memory_space<vmem_shared>> -> memref<128x64xf32, #tpu.memory_space<vmem_shared>>
      %dma_wait3A_89 = arith.constant 0 : i32
      %dma_wait3A_90 = tpu.memref_slice %arg24[%add3A_28, %dma_wait3A_89] : memref<10240x64xf32, #tpu.memory_space<vmem_shared>> -> memref<128x64xf32, #tpu.memory_space<vmem_shared>>
      tpu.wait_dma2 semaphore(%run_scoped3A : memref<!tpu.dma_semaphore, #tpu.memory_space<semaphore_mem>>) src(%arg17 : memref<128x64xf32, #tpu.memory_space<vmem>>) dst(%dma_wait3A_90 : memref<128x64xf32, #tpu.memory_space<vmem_shared>>)
      tpu.yield
    }) : () -> ()
    %add3A_29 = arith.constant 256 : i32
    %add3A_30 = arith.addi %mul3A_3, %add3A_29 : i32
    "tpu.region"() ({
      %run_scoped3A = tpu.sem_alloc : memref<!tpu.dma_semaphore, #tpu.memory_space<semaphore_mem>>
      %dma_start3A_84 = arith.constant 0 : i32
      %dma_start3A_85 = tpu.memref_slice %arg24[%add3A_30, %dma_start3A_84] : memref<10240x64xf32, #tpu.memory_space<vmem_shared>> -> memref<128x64xf32, #tpu.memory_space<vmem_shared>>
      %dma_start3A_86 = arith.constant 0 : i32
      %dma_start3A_87 = tpu.memref_slice %arg24[%add3A_30, %dma_start3A_86] : memref<10240x64xf32, #tpu.memory_space<vmem_shared>> -> memref<128x64xf32, #tpu.memory_space<vmem_shared>>
      tpu.enqueue_dma source(%arg17 : memref<128x64xf32, #tpu.memory_space<vmem>>) target(%dma_start3A_87 : memref<128x64xf32, #tpu.memory_space<vmem_shared>>) target_semaphore(%run_scoped3A : memref<!tpu.dma_semaphore, #tpu.memory_space<semaphore_mem>>)
      %dma_wait3A = arith.constant 0 : i32
      %dma_wait3A_88 = tpu.memref_slice %arg24[%add3A_30, %dma_wait3A] : memref<10240x64xf32, #tpu.memory_space<vmem_shared>> -> memref<128x64xf32, #tpu.memory_space<vmem_shared>>
      %dma_wait3A_89 = arith.constant 0 : i32
      %dma_wait3A_90 = tpu.memref_slice %arg24[%add3A_30, %dma_wait3A_89] : memref<10240x64xf32, #tpu.memory_space<vmem_shared>> -> memref<128x64xf32, #tpu.memory_space<vmem_shared>>
      tpu.wait_dma2 semaphore(%run_scoped3A : memref<!tpu.dma_semaphore, #tpu.memory_space<semaphore_mem>>) src(%arg17 : memref<128x64xf32, #tpu.memory_space<vmem>>) dst(%dma_wait3A_90 : memref<128x64xf32, #tpu.memory_space<vmem_shared>>)
      tpu.yield
    }) : () -> ()
    %add3A_31 = arith.constant 384 : i32
    %add3A_32 = arith.addi %mul3A_3, %add3A_31 : i32
    "tpu.region"() ({
      %run_scoped3A = tpu.sem_alloc : memref<!tpu.dma_semaphore, #tpu.memory_space<semaphore_mem>>
      %dma_start3A_84 = arith.constant 0 : i32
      %dma_start3A_85 = tpu.memref_slice %arg24[%add3A_32, %dma_start3A_84] : memref<10240x64xf32, #tpu.memory_space<vmem_shared>> -> memref<128x64xf32, #tpu.memory_space<vmem_shared>>
      %dma_start3A_86 = arith.constant 0 : i32
      %dma_start3A_87 = tpu.memref_slice %arg24[%add3A_32, %dma_start3A_86] : memref<10240x64xf32, #tpu.memory_space<vmem_shared>> -> memref<128x64xf32, #tpu.memory_space<vmem_shared>>
      tpu.enqueue_dma source(%arg17 : memref<128x64xf32, #tpu.memory_space<vmem>>) target(%dma_start3A_87 : memref<128x64xf32, #tpu.memory_space<vmem_shared>>) target_semaphore(%run_scoped3A : memref<!tpu.dma_semaphore, #tpu.memory_space<semaphore_mem>>)
      %dma_wait3A = arith.constant 0 : i32
      %dma_wait3A_88 = tpu.memref_slice %arg24[%add3A_32, %dma_wait3A] : memref<10240x64xf32, #tpu.memory_space<vmem_shared>> -> memref<128x64xf32, #tpu.memory_space<vmem_shared>>
      %dma_wait3A_89 = arith.constant 0 : i32
      %dma_wait3A_90 = tpu.memref_slice %arg24[%add3A_32, %dma_wait3A_89] : memref<10240x64xf32, #tpu.memory_space<vmem_shared>> -> memref<128x64xf32, #tpu.memory_space<vmem_shared>>
      tpu.wait_dma2 semaphore(%run_scoped3A : memref<!tpu.dma_semaphore, #tpu.memory_space<semaphore_mem>>) src(%arg17 : memref<128x64xf32, #tpu.memory_space<vmem>>) dst(%dma_wait3A_90 : memref<128x64xf32, #tpu.memory_space<vmem_shared>>)
      tpu.yield
    }) : () -> ()
    %add3A_33 = arith.constant 512 : i32
    %add3A_34 = arith.addi %mul3A_3, %add3A_33 : i32
    "tpu.region"() ({
      %run_scoped3A = tpu.sem_alloc : memref<!tpu.dma_semaphore, #tpu.memory_space<semaphore_mem>>
      %dma_start3A_84 = arith.constant 0 : i32
      %dma_start3A_85 = tpu.memref_slice %arg24[%add3A_34, %dma_start3A_84] : memref<10240x64xf32, #tpu.memory_space<vmem_shared>> -> memref<128x64xf32, #tpu.memory_space<vmem_shared>>
      %dma_start3A_86 = arith.constant 0 : i32
      %dma_start3A_87 = tpu.memref_slice %arg24[%add3A_34, %dma_start3A_86] : memref<10240x64xf32, #tpu.memory_space<vmem_shared>> -> memref<128x64xf32, #tpu.memory_space<vmem_shared>>
      tpu.enqueue_dma source(%arg17 : memref<128x64xf32, #tpu.memory_space<vmem>>) target(%dma_start3A_87 : memref<128x64xf32, #tpu.memory_space<vmem_shared>>) target_semaphore(%run_scoped3A : memref<!tpu.dma_semaphore, #tpu.memory_space<semaphore_mem>>)
      %dma_wait3A = arith.constant 0 : i32
      %dma_wait3A_88 = tpu.memref_slice %arg24[%add3A_34, %dma_wait3A] : memref<10240x64xf32, #tpu.memory_space<vmem_shared>> -> memref<128x64xf32, #tpu.memory_space<vmem_shared>>
      %dma_wait3A_89 = arith.constant 0 : i32
      %dma_wait3A_90 = tpu.memref_slice %arg24[%add3A_34, %dma_wait3A_89] : memref<10240x64xf32, #tpu.memory_space<vmem_shared>> -> memref<128x64xf32, #tpu.memory_space<vmem_shared>>
      tpu.wait_dma2 semaphore(%run_scoped3A : memref<!tpu.dma_semaphore, #tpu.memory_space<semaphore_mem>>) src(%arg17 : memref<128x64xf32, #tpu.memory_space<vmem>>) dst(%dma_wait3A_90 : memref<128x64xf32, #tpu.memory_space<vmem_shared>>)
      tpu.yield
    }) : () -> ()
    "tpu.region"() ({
      %run_scoped3A = tpu.sem_alloc : memref<!tpu.dma_semaphore, #tpu.memory_space<semaphore_mem>>
      %dma_start3A_84 = tpu.memref_slice %arg25[%mul3A_3] : memref<10240xf32, #tpu.memory_space<vmem_shared>> -> memref<640xf32, #tpu.memory_space<vmem_shared>>
      %dma_start3A_85 = tpu.memref_slice %arg25[%mul3A_3] : memref<10240xf32, #tpu.memory_space<vmem_shared>> -> memref<640xf32, #tpu.memory_space<vmem_shared>>
      tpu.enqueue_dma source(%arg22 : memref<640xf32, #tpu.memory_space<vmem>>) target(%dma_start3A_85 : memref<640xf32, #tpu.memory_space<vmem_shared>>) target_semaphore(%run_scoped3A : memref<!tpu.dma_semaphore, #tpu.memory_space<semaphore_mem>>)
      %dma_wait3A = tpu.memref_slice %arg25[%mul3A_3] : memref<10240xf32, #tpu.memory_space<vmem_shared>> -> memref<640xf32, #tpu.memory_space<vmem_shared>>
      %dma_wait3A_86 = tpu.memref_slice %arg25[%mul3A_3] : memref<10240xf32, #tpu.memory_space<vmem_shared>> -> memref<640xf32, #tpu.memory_space<vmem_shared>>
      tpu.wait_dma2 semaphore(%run_scoped3A : memref<!tpu.dma_semaphore, #tpu.memory_space<semaphore_mem>>) src(%arg22 : memref<640xf32, #tpu.memory_space<vmem>>) dst(%dma_wait3A_86 : memref<640xf32, #tpu.memory_space<vmem_shared>>)
      tpu.yield
    }) : () -> ()
    %barrier3A = arith.constant 0 : index
    tpu.barrier barrier_id(%barrier3A)
    %mul3A_35 = arith.constant 20480 : i32
    %mul3A_36 = arith.muli %arg1, %mul3A_35 : i32
    %add3A_37 = arith.constant 0 : i32
    %add3A_38 = arith.addi %mul3A_36, %add3A_37 : i32
    %dma_start3A = tpu.memref_slice %arg3[%add3A_38] : memref<327680xi32, #tpu.memory_space<hbm>> -> memref<128xi32, #tpu.memory_space<hbm>>
    %dma_start3A_39 = tpu.memref_slice %arg3[%add3A_38] : memref<327680xi32, #tpu.memory_space<hbm>> -> memref<128xi32, #tpu.memory_space<hbm>>
    tpu.enqueue_dma source(%dma_start3A_39 : memref<128xi32, #tpu.memory_space<hbm>>) target(%arg9 : memref<128xi32, #tpu.memory_space<vmem>>) target_semaphore(%arg26 : memref<!tpu.dma_semaphore, #tpu.memory_space<semaphore_mem>>)
    %add3A_40 = arith.constant 0 : i32
    %add3A_41 = arith.addi %mul3A_36, %add3A_40 : i32
    %dma_start3A_42 = tpu.memref_slice %arg4[%add3A_41] : memref<327680xi32, #tpu.memory_space<hbm>> -> memref<128xi32, #tpu.memory_space<hbm>>
    %dma_start3A_43 = tpu.memref_slice %arg4[%add3A_41] : memref<327680xi32, #tpu.memory_space<hbm>> -> memref<128xi32, #tpu.memory_space<hbm>>
    tpu.enqueue_dma source(%dma_start3A_43 : memref<128xi32, #tpu.memory_space<hbm>>) target(%arg13 : memref<128xi32, #tpu.memory_space<vmem>>) target_semaphore(%arg26 : memref<!tpu.dma_semaphore, #tpu.memory_space<semaphore_mem>>)
    %add3A_44 = arith.constant 128 : i32
    %add3A_45 = arith.addi %mul3A_36, %add3A_44 : i32
    %dma_start3A_46 = tpu.memref_slice %arg3[%add3A_45] : memref<327680xi32, #tpu.memory_space<hbm>> -> memref<128xi32, #tpu.memory_space<hbm>>
    %dma_start3A_47 = tpu.memref_slice %arg3[%add3A_45] : memref<327680xi32, #tpu.memory_space<hbm>> -> memref<128xi32, #tpu.memory_space<hbm>>
    tpu.enqueue_dma source(%dma_start3A_47 : memref<128xi32, #tpu.memory_space<hbm>>) target(%arg10 : memref<128xi32, #tpu.memory_space<vmem>>) target_semaphore(%arg27 : memref<!tpu.dma_semaphore, #tpu.memory_space<semaphore_mem>>)
    %add3A_48 = arith.constant 128 : i32
    %add3A_49 = arith.addi %mul3A_36, %add3A_48 : i32
    %dma_start3A_50 = tpu.memref_slice %arg4[%add3A_49] : memref<327680xi32, #tpu.memory_space<hbm>> -> memref<128xi32, #tpu.memory_space<hbm>>
    %dma_start3A_51 = tpu.memref_slice %arg4[%add3A_49] : memref<327680xi32, #tpu.memory_space<hbm>> -> memref<128xi32, #tpu.memory_space<hbm>>
    tpu.enqueue_dma source(%dma_start3A_51 : memref<128xi32, #tpu.memory_space<hbm>>) target(%arg14 : memref<128xi32, #tpu.memory_space<vmem>>) target_semaphore(%arg27 : memref<!tpu.dma_semaphore, #tpu.memory_space<semaphore_mem>>)
    %add3A_52 = arith.constant 256 : i32
    %add3A_53 = arith.addi %mul3A_36, %add3A_52 : i32
    %dma_start3A_54 = tpu.memref_slice %arg3[%add3A_53] : memref<327680xi32, #tpu.memory_space<hbm>> -> memref<128xi32, #tpu.memory_space<hbm>>
    %dma_start3A_55 = tpu.memref_slice %arg3[%add3A_53] : memref<327680xi32, #tpu.memory_space<hbm>> -> memref<128xi32, #tpu.memory_space<hbm>>
    tpu.enqueue_dma source(%dma_start3A_55 : memref<128xi32, #tpu.memory_space<hbm>>) target(%arg11 : memref<128xi32, #tpu.memory_space<vmem>>) target_semaphore(%arg28 : memref<!tpu.dma_semaphore, #tpu.memory_space<semaphore_mem>>)
    %add3A_56 = arith.constant 256 : i32
    %add3A_57 = arith.addi %mul3A_36, %add3A_56 : i32
    %dma_start3A_58 = tpu.memref_slice %arg4[%add3A_57] : memref<327680xi32, #tpu.memory_space<hbm>> -> memref<128xi32, #tpu.memory_space<hbm>>
    %dma_start3A_59 = tpu.memref_slice %arg4[%add3A_57] : memref<327680xi32, #tpu.memory_space<hbm>> -> memref<128xi32, #tpu.memory_space<hbm>>
    tpu.enqueue_dma source(%dma_start3A_59 : memref<128xi32, #tpu.memory_space<hbm>>) target(%arg15 : memref<128xi32, #tpu.memory_space<vmem>>) target_semaphore(%arg28 : memref<!tpu.dma_semaphore, #tpu.memory_space<semaphore_mem>>)
    %add3A_60 = arith.constant 384 : i32
    %add3A_61 = arith.addi %mul3A_36, %add3A_60 : i32
    %dma_start3A_62 = tpu.memref_slice %arg3[%add3A_61] : memref<327680xi32, #tpu.memory_space<hbm>> -> memref<128xi32, #tpu.memory_space<hbm>>
    %dma_start3A_63 = tpu.memref_slice %arg3[%add3A_61] : memref<327680xi32, #tpu.memory_space<hbm>> -> memref<128xi32, #tpu.memory_space<hbm>>
    tpu.enqueue_dma source(%dma_start3A_63 : memref<128xi32, #tpu.memory_space<hbm>>) target(%arg12 : memref<128xi32, #tpu.memory_space<vmem>>) target_semaphore(%arg29 : memref<!tpu.dma_semaphore, #tpu.memory_space<semaphore_mem>>)
    %add3A_64 = arith.constant 384 : i32
    %add3A_65 = arith.addi %mul3A_36, %add3A_64 : i32
    %dma_start3A_66 = tpu.memref_slice %arg4[%add3A_65] : memref<327680xi32, #tpu.memory_space<hbm>> -> memref<128xi32, #tpu.memory_space<hbm>>
    %dma_start3A_67 = tpu.memref_slice %arg4[%add3A_65] : memref<327680xi32, #tpu.memory_space<hbm>> -> memref<128xi32, #tpu.memory_space<hbm>>
    tpu.enqueue_dma source(%dma_start3A_67 : memref<128xi32, #tpu.memory_space<hbm>>) target(%arg16 : memref<128xi32, #tpu.memory_space<vmem>>) target_semaphore(%arg29 : memref<!tpu.dma_semaphore, #tpu.memory_space<semaphore_mem>>)
    %scan3A_68 = arith.constant 0 : i32
    %scan3A_69 = arith.constant 40 : i32
    %scan3A_70 = arith.addi %scan3A_68, %scan3A_69 : i32
    %scan3A_71 = arith.constant 1 : i32
    scf.for %scan3A_84 = %scan3A_68 to %scan3A_70 step %scan3A_71  : i32 {
      %mul3A_85 = arith.constant 4 : i32
      %mul3A_86 = arith.muli %scan3A_84, %mul3A_85 : i32
      %add3A_87 = arith.constant 0 : i32
      %add3A_88 = arith.addi %mul3A_86, %add3A_87 : i32
      %mul3A_89 = arith.constant 128 : i32
      %mul3A_90 = arith.muli %add3A_88, %mul3A_89 : i32
      %add3A_91 = arith.addi %mul3A_36, %mul3A_90 : i32
      %dma_wait3A = tpu.memref_slice %arg3[%add3A_91] : memref<327680xi32, #tpu.memory_space<hbm>> -> memref<128xi32, #tpu.memory_space<hbm>>
      %dma_wait3A_92 = tpu.memref_slice %arg3[%add3A_91] : memref<327680xi32, #tpu.memory_space<hbm>> -> memref<128xi32, #tpu.memory_space<hbm>>
      tpu.wait_dma2 semaphore(%arg26 : memref<!tpu.dma_semaphore, #tpu.memory_space<semaphore_mem>>) src(%dma_wait3A_92 : memref<128xi32, #tpu.memory_space<hbm>>) dst(%arg9 : memref<128xi32, #tpu.memory_space<vmem>>)
      %mul3A_93 = arith.constant 128 : i32
      %mul3A_94 = arith.muli %add3A_88, %mul3A_93 : i32
      %add3A_95 = arith.addi %mul3A_36, %mul3A_94 : i32
      %dma_wait3A_96 = tpu.memref_slice %arg4[%add3A_95] : memref<327680xi32, #tpu.memory_space<hbm>> -> memref<128xi32, #tpu.memory_space<hbm>>
      %dma_wait3A_97 = tpu.memref_slice %arg4[%add3A_95] : memref<327680xi32, #tpu.memory_space<hbm>> -> memref<128xi32, #tpu.memory_space<hbm>>
      tpu.wait_dma2 semaphore(%arg26 : memref<!tpu.dma_semaphore, #tpu.memory_space<semaphore_mem>>) src(%dma_wait3A_97 : memref<128xi32, #tpu.memory_space<hbm>>) dst(%arg13 : memref<128xi32, #tpu.memory_space<vmem>>)
      %dma_start3A_98 = arith.constant 0 : i32
      %dma_start3A_99 = arith.constant 0 : i32
      %dma_start3A_100 = tpu.memref_slice %arg23[%dma_start3A_98, %dma_start3A_99] : memref<10240x64xf32, #tpu.memory_space<vmem_shared>> -> memref<10240x64xf32, #tpu.memory_space<vmem_shared>>
      tpu.enqueue_indirect_dma source(%dma_start3A_100 : memref<10240x64xf32, #tpu.memory_space<vmem_shared>>) target(%arg17 : memref<128x64xf32, #tpu.memory_space<vmem>>) offsets(%arg9 : memref<128xi32, #tpu.memory_space<vmem>>) semaphore(%arg30 : memref<!tpu.dma_semaphore, #tpu.memory_space<semaphore_mem>>)
      %mul3A_101 = arith.constant 4 : i32
      %mul3A_102 = arith.muli %scan3A_84, %mul3A_101 : i32
      %add3A_103 = arith.constant 1 : i32
      %add3A_104 = arith.addi %mul3A_102, %add3A_103 : i32
      %mul3A_105 = arith.constant 128 : i32
      %mul3A_106 = arith.muli %add3A_104, %mul3A_105 : i32
      %add3A_107 = arith.addi %mul3A_36, %mul3A_106 : i32
      %dma_wait3A_108 = tpu.memref_slice %arg3[%add3A_107] : memref<327680xi32, #tpu.memory_space<hbm>> -> memref<128xi32, #tpu.memory_space<hbm>>
      %dma_wait3A_109 = tpu.memref_slice %arg3[%add3A_107] : memref<327680xi32, #tpu.memory_space<hbm>> -> memref<128xi32, #tpu.memory_space<hbm>>
      tpu.wait_dma2 semaphore(%arg27 : memref<!tpu.dma_semaphore, #tpu.memory_space<semaphore_mem>>) src(%dma_wait3A_109 : memref<128xi32, #tpu.memory_space<hbm>>) dst(%arg10 : memref<128xi32, #tpu.memory_space<vmem>>)
      %mul3A_110 = arith.constant 128 : i32
      %mul3A_111 = arith.muli %add3A_104, %mul3A_110 : i32
      %add3A_112 = arith.addi %mul3A_36, %mul3A_111 : i32
      %dma_wait3A_113 = tpu.memref_slice %arg4[%add3A_112] : memref<327680xi32, #tpu.memory_space<hbm>> -> memref<128xi32, #tpu.memory_space<hbm>>
      %dma_wait3A_114 = tpu.memref_slice %arg4[%add3A_112] : memref<327680xi32, #tpu.memory_space<hbm>> -> memref<128xi32, #tpu.memory_space<hbm>>
      tpu.wait_dma2 semaphore(%arg27 : memref<!tpu.dma_semaphore, #tpu.memory_space<semaphore_mem>>) src(%dma_wait3A_114 : memref<128xi32, #tpu.memory_space<hbm>>) dst(%arg14 : memref<128xi32, #tpu.memory_space<vmem>>)
      %dma_start3A_115 = arith.constant 0 : i32
      %dma_start3A_116 = arith.constant 0 : i32
      %dma_start3A_117 = tpu.memref_slice %arg23[%dma_start3A_115, %dma_start3A_116] : memref<10240x64xf32, #tpu.memory_space<vmem_shared>> -> memref<10240x64xf32, #tpu.memory_space<vmem_shared>>
      tpu.enqueue_indirect_dma source(%dma_start3A_117 : memref<10240x64xf32, #tpu.memory_space<vmem_shared>>) target(%arg18 : memref<128x64xf32, #tpu.memory_space<vmem>>) offsets(%arg10 : memref<128xi32, #tpu.memory_space<vmem>>) semaphore(%arg31 : memref<!tpu.dma_semaphore, #tpu.memory_space<semaphore_mem>>)
      %mul3A_118 = arith.constant 4 : i32
      %mul3A_119 = arith.muli %scan3A_84, %mul3A_118 : i32
      %add3A_120 = arith.constant 2 : i32
      %add3A_121 = arith.addi %mul3A_119, %add3A_120 : i32
      %mul3A_122 = arith.constant 128 : i32
      %mul3A_123 = arith.muli %add3A_121, %mul3A_122 : i32
      %add3A_124 = arith.addi %mul3A_36, %mul3A_123 : i32
      %dma_wait3A_125 = tpu.memref_slice %arg3[%add3A_124] : memref<327680xi32, #tpu.memory_space<hbm>> -> memref<128xi32, #tpu.memory_space<hbm>>
      %dma_wait3A_126 = tpu.memref_slice %arg3[%add3A_124] : memref<327680xi32, #tpu.memory_space<hbm>> -> memref<128xi32, #tpu.memory_space<hbm>>
      tpu.wait_dma2 semaphore(%arg28 : memref<!tpu.dma_semaphore, #tpu.memory_space<semaphore_mem>>) src(%dma_wait3A_126 : memref<128xi32, #tpu.memory_space<hbm>>) dst(%arg11 : memref<128xi32, #tpu.memory_space<vmem>>)
      %mul3A_127 = arith.constant 128 : i32
      %mul3A_128 = arith.muli %add3A_121, %mul3A_127 : i32
      %add3A_129 = arith.addi %mul3A_36, %mul3A_128 : i32
      %dma_wait3A_130 = tpu.memref_slice %arg4[%add3A_129] : memref<327680xi32, #tpu.memory_space<hbm>> -> memref<128xi32, #tpu.memory_space<hbm>>
      %dma_wait3A_131 = tpu.memref_slice %arg4[%add3A_129] : memref<327680xi32, #tpu.memory_space<hbm>> -> memref<128xi32, #tpu.memory_space<hbm>>
      tpu.wait_dma2 semaphore(%arg28 : memref<!tpu.dma_semaphore, #tpu.memory_space<semaphore_mem>>) src(%dma_wait3A_131 : memref<128xi32, #tpu.memory_space<hbm>>) dst(%arg15 : memref<128xi32, #tpu.memory_space<vmem>>)
      %dma_start3A_132 = arith.constant 0 : i32
      %dma_start3A_133 = arith.constant 0 : i32
      %dma_start3A_134 = tpu.memref_slice %arg23[%dma_start3A_132, %dma_start3A_133] : memref<10240x64xf32, #tpu.memory_space<vmem_shared>> -> memref<10240x64xf32, #tpu.memory_space<vmem_shared>>
      tpu.enqueue_indirect_dma source(%dma_start3A_134 : memref<10240x64xf32, #tpu.memory_space<vmem_shared>>) target(%arg19 : memref<128x64xf32, #tpu.memory_space<vmem>>) offsets(%arg11 : memref<128xi32, #tpu.memory_space<vmem>>) semaphore(%arg32 : memref<!tpu.dma_semaphore, #tpu.memory_space<semaphore_mem>>)
      %mul3A_135 = arith.constant 4 : i32
      %mul3A_136 = arith.muli %scan3A_84, %mul3A_135 : i32
      %add3A_137 = arith.constant 3 : i32
      %add3A_138 = arith.addi %mul3A_136, %add3A_137 : i32
      %mul3A_139 = arith.constant 128 : i32
      %mul3A_140 = arith.muli %add3A_138, %mul3A_139 : i32
      %add3A_141 = arith.addi %mul3A_36, %mul3A_140 : i32
      %dma_wait3A_142 = tpu.memref_slice %arg3[%add3A_141] : memref<327680xi32, #tpu.memory_space<hbm>> -> memref<128xi32, #tpu.memory_space<hbm>>
      %dma_wait3A_143 = tpu.memref_slice %arg3[%add3A_141] : memref<327680xi32, #tpu.memory_space<hbm>> -> memref<128xi32, #tpu.memory_space<hbm>>
      tpu.wait_dma2 semaphore(%arg29 : memref<!tpu.dma_semaphore, #tpu.memory_space<semaphore_mem>>) src(%dma_wait3A_143 : memref<128xi32, #tpu.memory_space<hbm>>) dst(%arg12 : memref<128xi32, #tpu.memory_space<vmem>>)
      %mul3A_144 = arith.constant 128 : i32
      %mul3A_145 = arith.muli %add3A_138, %mul3A_144 : i32
      %add3A_146 = arith.addi %mul3A_36, %mul3A_145 : i32
      %dma_wait3A_147 = tpu.memref_slice %arg4[%add3A_146] : memref<327680xi32, #tpu.memory_space<hbm>> -> memref<128xi32, #tpu.memory_space<hbm>>
      %dma_wait3A_148 = tpu.memref_slice %arg4[%add3A_146] : memref<327680xi32, #tpu.memory_space<hbm>> -> memref<128xi32, #tpu.memory_space<hbm>>
      tpu.wait_dma2 semaphore(%arg29 : memref<!tpu.dma_semaphore, #tpu.memory_space<semaphore_mem>>) src(%dma_wait3A_148 : memref<128xi32, #tpu.memory_space<hbm>>) dst(%arg16 : memref<128xi32, #tpu.memory_space<vmem>>)
      %dma_start3A_149 = arith.constant 0 : i32
      %dma_start3A_150 = arith.constant 0 : i32
      %dma_start3A_151 = tpu.memref_slice %arg23[%dma_start3A_149, %dma_start3A_150] : memref<10240x64xf32, #tpu.memory_space<vmem_shared>> -> memref<10240x64xf32, #tpu.memory_space<vmem_shared>>
      tpu.enqueue_indirect_dma source(%dma_start3A_151 : memref<10240x64xf32, #tpu.memory_space<vmem_shared>>) target(%arg20 : memref<128x64xf32, #tpu.memory_space<vmem>>) offsets(%arg12 : memref<128xi32, #tpu.memory_space<vmem>>) semaphore(%arg33 : memref<!tpu.dma_semaphore, #tpu.memory_space<semaphore_mem>>)
      %mul3A_152 = arith.constant 4 : i32
      %mul3A_153 = arith.muli %scan3A_84, %mul3A_152 : i32
      %add3A_154 = arith.constant 0 : i32
      %add3A_155 = arith.addi %mul3A_153, %add3A_154 : i32
      %dma_wait3A_156 = arith.constant 0 : i32
      %dma_wait3A_157 = arith.constant 0 : i32
      %dma_wait3A_158 = tpu.memref_slice %arg23[%dma_wait3A_156, %dma_wait3A_157] : memref<10240x64xf32, #tpu.memory_space<vmem_shared>> -> memref<10240x64xf32, #tpu.memory_space<vmem_shared>>
      tpu.wait_indirect_dma semaphore(%arg30 : memref<!tpu.dma_semaphore, #tpu.memory_space<semaphore_mem>>) src(%dma_wait3A_158 : memref<10240x64xf32, #tpu.memory_space<vmem_shared>>) dst(%arg17 : memref<128x64xf32, #tpu.memory_space<vmem>>)
      "tpu.region"() ({
        %run_scoped3A = tpu.sem_alloc : memref<!tpu.dma_semaphore, #tpu.memory_space<semaphore_mem>>
        %dma_start3A_246 = arith.constant 0 : i32
        %dma_start3A_247 = arith.constant 0 : i32
        %dma_start3A_248 = tpu.memref_slice %arg24[%dma_start3A_246, %dma_start3A_247] : memref<10240x64xf32, #tpu.memory_space<vmem_shared>> -> memref<10240x64xf32, #tpu.memory_space<vmem_shared>>
        tpu.enqueue_indirect_dma source(%arg17 : memref<128x64xf32, #tpu.memory_space<vmem>>) target(%dma_start3A_248 : memref<10240x64xf32, #tpu.memory_space<vmem_shared>>) offsets(%arg13 : memref<128xi32, #tpu.memory_space<vmem>>) semaphore(%run_scoped3A : memref<!tpu.dma_semaphore, #tpu.memory_space<semaphore_mem>>) {add = true}
        %dma_wait3A_249 = arith.constant 0 : i32
        %dma_wait3A_250 = arith.constant 0 : i32
        %dma_wait3A_251 = tpu.memref_slice %arg24[%dma_wait3A_249, %dma_wait3A_250] : memref<10240x64xf32, #tpu.memory_space<vmem_shared>> -> memref<10240x64xf32, #tpu.memory_space<vmem_shared>>
        tpu.wait_indirect_dma semaphore(%run_scoped3A : memref<!tpu.dma_semaphore, #tpu.memory_space<semaphore_mem>>) src(%arg17 : memref<128x64xf32, #tpu.memory_space<vmem>>) dst(%dma_wait3A_251 : memref<10240x64xf32, #tpu.memory_space<vmem_shared>>)
        tpu.yield
      }) : () -> ()
      %eq3A_159 = arith.constant 0 : i32
      %eq3A_160 = arith.cmpi eq, %arg0, %eq3A_159 : i32
      %lt3A_161 = arith.constant 80 : i32
      %lt3A_162 = arith.cmpi slt, %add3A_155, %lt3A_161 : i32
      %ge3A = arith.constant 80 : i32
      %ge3A_163 = arith.cmpi sge, %add3A_155, %ge3A : i32
      %select_n3A = arith.select %eq3A_160, %lt3A_162, %ge3A_163 : i1
      %convert_element_type3A_164 = arith.extui %select_n3A : i1 to i32
      %cond3A_165 = arith.constant 0 : i32
      %cond3A_166 = arith.cmpi ne, %convert_element_type3A_164, %cond3A_165 : i32
      scf.if %cond3A_166 {
        "tpu.region"() ({
          %run_scoped3A = tpu.sem_alloc : memref<!tpu.dma_semaphore, #tpu.memory_space<semaphore_mem>>
          %dma_start3A_246 = arith.constant 0 : i32
          %dma_start3A_247 = tpu.memref_slice %arg25[%dma_start3A_246] : memref<10240xf32, #tpu.memory_space<vmem_shared>> -> memref<10240xf32, #tpu.memory_space<vmem_shared>>
          tpu.enqueue_indirect_dma source(%arg21 : memref<128xf32, #tpu.memory_space<vmem>>) target(%dma_start3A_247 : memref<10240xf32, #tpu.memory_space<vmem_shared>>) offsets(%arg13 : memref<128xi32, #tpu.memory_space<vmem>>) semaphore(%run_scoped3A : memref<!tpu.dma_semaphore, #tpu.memory_space<semaphore_mem>>) {add = true}
          %dma_wait3A_248 = arith.constant 0 : i32
          %dma_wait3A_249 = tpu.memref_slice %arg25[%dma_wait3A_248] : memref<10240xf32, #tpu.memory_space<vmem_shared>> -> memref<10240xf32, #tpu.memory_space<vmem_shared>>
          tpu.wait_indirect_dma semaphore(%run_scoped3A : memref<!tpu.dma_semaphore, #tpu.memory_space<semaphore_mem>>) src(%arg21 : memref<128xf32, #tpu.memory_space<vmem>>) dst(%dma_wait3A_249 : memref<10240xf32, #tpu.memory_space<vmem_shared>>)
          tpu.yield
        }) : () -> ()
      } else {
      }
      %add3A_167 = arith.constant 4 : i32
      %add3A_168 = arith.addi %add3A_155, %add3A_167 : i32
      %lt3A_169 = arith.constant 160 : i32
      %lt3A_170 = arith.cmpi slt, %add3A_168, %lt3A_169 : i32
      %convert_element_type3A_171 = arith.extui %lt3A_170 : i1 to i32
      %cond3A_172 = arith.constant 0 : i32
      %cond3A_173 = arith.cmpi ne, %convert_element_type3A_171, %cond3A_172 : i32
      scf.if %cond3A_173 {
        %add3A_246 = arith.constant 4 : i32
        %add3A_247 = arith.addi %add3A_155, %add3A_246 : i32
        %mul3A_248 = arith.constant 128 : i32
        %mul3A_249 = arith.muli %add3A_247, %mul3A_248 : i32
        %add3A_250 = arith.addi %mul3A_36, %mul3A_249 : i32
        %dma_start3A_251 = tpu.memref_slice %arg3[%add3A_250] : memref<327680xi32, #tpu.memory_space<hbm>> -> memref<128xi32, #tpu.memory_space<hbm>>
        %dma_start3A_252 = tpu.memref_slice %arg3[%add3A_250] : memref<327680xi32, #tpu.memory_space<hbm>> -> memref<128xi32, #tpu.memory_space<hbm>>
        tpu.enqueue_dma source(%dma_start3A_252 : memref<128xi32, #tpu.memory_space<hbm>>) target(%arg9 : memref<128xi32, #tpu.memory_space<vmem>>) target_semaphore(%arg26 : memref<!tpu.dma_semaphore, #tpu.memory_space<semaphore_mem>>)
        %mul3A_253 = arith.constant 128 : i32
        %mul3A_254 = arith.muli %add3A_247, %mul3A_253 : i32
        %add3A_255 = arith.addi %mul3A_36, %mul3A_254 : i32
        %dma_start3A_256 = tpu.memref_slice %arg4[%add3A_255] : memref<327680xi32, #tpu.memory_space<hbm>> -> memref<128xi32, #tpu.memory_space<hbm>>
        %dma_start3A_257 = tpu.memref_slice %arg4[%add3A_255] : memref<327680xi32, #tpu.memory_space<hbm>> -> memref<128xi32, #tpu.memory_space<hbm>>
        tpu.enqueue_dma source(%dma_start3A_257 : memref<128xi32, #tpu.memory_space<hbm>>) target(%arg13 : memref<128xi32, #tpu.memory_space<vmem>>) target_semaphore(%arg26 : memref<!tpu.dma_semaphore, #tpu.memory_space<semaphore_mem>>)
      } else {
      }
      %mul3A_174 = arith.constant 4 : i32
      %mul3A_175 = arith.muli %scan3A_84, %mul3A_174 : i32
      %add3A_176 = arith.constant 1 : i32
      %add3A_177 = arith.addi %mul3A_175, %add3A_176 : i32
      %dma_wait3A_178 = arith.constant 0 : i32
      %dma_wait3A_179 = arith.constant 0 : i32
      %dma_wait3A_180 = tpu.memref_slice %arg23[%dma_wait3A_178, %dma_wait3A_179] : memref<10240x64xf32, #tpu.memory_space<vmem_shared>> -> memref<10240x64xf32, #tpu.memory_space<vmem_shared>>
      tpu.wait_indirect_dma semaphore(%arg31 : memref<!tpu.dma_semaphore, #tpu.memory_space<semaphore_mem>>) src(%dma_wait3A_180 : memref<10240x64xf32, #tpu.memory_space<vmem_shared>>) dst(%arg18 : memref<128x64xf32, #tpu.memory_space<vmem>>)
      "tpu.region"() ({
        %run_scoped3A = tpu.sem_alloc : memref<!tpu.dma_semaphore, #tpu.memory_space<semaphore_mem>>
        %dma_start3A_246 = arith.constant 0 : i32
        %dma_start3A_247 = arith.constant 0 : i32
        %dma_start3A_248 = tpu.memref_slice %arg24[%dma_start3A_246, %dma_start3A_247] : memref<10240x64xf32, #tpu.memory_space<vmem_shared>> -> memref<10240x64xf32, #tpu.memory_space<vmem_shared>>
        tpu.enqueue_indirect_dma source(%arg18 : memref<128x64xf32, #tpu.memory_space<vmem>>) target(%dma_start3A_248 : memref<10240x64xf32, #tpu.memory_space<vmem_shared>>) offsets(%arg14 : memref<128xi32, #tpu.memory_space<vmem>>) semaphore(%run_scoped3A : memref<!tpu.dma_semaphore, #tpu.memory_space<semaphore_mem>>) {add = true}
        %dma_wait3A_249 = arith.constant 0 : i32
        %dma_wait3A_250 = arith.constant 0 : i32
        %dma_wait3A_251 = tpu.memref_slice %arg24[%dma_wait3A_249, %dma_wait3A_250] : memref<10240x64xf32, #tpu.memory_space<vmem_shared>> -> memref<10240x64xf32, #tpu.memory_space<vmem_shared>>
        tpu.wait_indirect_dma semaphore(%run_scoped3A : memref<!tpu.dma_semaphore, #tpu.memory_space<semaphore_mem>>) src(%arg18 : memref<128x64xf32, #tpu.memory_space<vmem>>) dst(%dma_wait3A_251 : memref<10240x64xf32, #tpu.memory_space<vmem_shared>>)
        tpu.yield
      }) : () -> ()
      %eq3A_181 = arith.constant 0 : i32
      %eq3A_182 = arith.cmpi eq, %arg0, %eq3A_181 : i32
      %lt3A_183 = arith.constant 80 : i32
      %lt3A_184 = arith.cmpi slt, %add3A_177, %lt3A_183 : i32
      %ge3A_185 = arith.constant 80 : i32
      %ge3A_186 = arith.cmpi sge, %add3A_177, %ge3A_185 : i32
      %select_n3A_187 = arith.select %eq3A_182, %lt3A_184, %ge3A_186 : i1
      %convert_element_type3A_188 = arith.extui %select_n3A_187 : i1 to i32
      %cond3A_189 = arith.constant 0 : i32
      %cond3A_190 = arith.cmpi ne, %convert_element_type3A_188, %cond3A_189 : i32
      scf.if %cond3A_190 {
        "tpu.region"() ({
          %run_scoped3A = tpu.sem_alloc : memref<!tpu.dma_semaphore, #tpu.memory_space<semaphore_mem>>
          %dma_start3A_246 = arith.constant 0 : i32
          %dma_start3A_247 = tpu.memref_slice %arg25[%dma_start3A_246] : memref<10240xf32, #tpu.memory_space<vmem_shared>> -> memref<10240xf32, #tpu.memory_space<vmem_shared>>
          tpu.enqueue_indirect_dma source(%arg21 : memref<128xf32, #tpu.memory_space<vmem>>) target(%dma_start3A_247 : memref<10240xf32, #tpu.memory_space<vmem_shared>>) offsets(%arg14 : memref<128xi32, #tpu.memory_space<vmem>>) semaphore(%run_scoped3A : memref<!tpu.dma_semaphore, #tpu.memory_space<semaphore_mem>>) {add = true}
          %dma_wait3A_248 = arith.constant 0 : i32
          %dma_wait3A_249 = tpu.memref_slice %arg25[%dma_wait3A_248] : memref<10240xf32, #tpu.memory_space<vmem_shared>> -> memref<10240xf32, #tpu.memory_space<vmem_shared>>
          tpu.wait_indirect_dma semaphore(%run_scoped3A : memref<!tpu.dma_semaphore, #tpu.memory_space<semaphore_mem>>) src(%arg21 : memref<128xf32, #tpu.memory_space<vmem>>) dst(%dma_wait3A_249 : memref<10240xf32, #tpu.memory_space<vmem_shared>>)
          tpu.yield
        }) : () -> ()
      } else {
      }
      %add3A_191 = arith.constant 4 : i32
      %add3A_192 = arith.addi %add3A_177, %add3A_191 : i32
      %lt3A_193 = arith.constant 160 : i32
      %lt3A_194 = arith.cmpi slt, %add3A_192, %lt3A_193 : i32
      %convert_element_type3A_195 = arith.extui %lt3A_194 : i1 to i32
      %cond3A_196 = arith.constant 0 : i32
      %cond3A_197 = arith.cmpi ne, %convert_element_type3A_195, %cond3A_196 : i32
      scf.if %cond3A_197 {
        %add3A_246 = arith.constant 4 : i32
        %add3A_247 = arith.addi %add3A_177, %add3A_246 : i32
        %mul3A_248 = arith.constant 128 : i32
        %mul3A_249 = arith.muli %add3A_247, %mul3A_248 : i32
        %add3A_250 = arith.addi %mul3A_36, %mul3A_249 : i32
        %dma_start3A_251 = tpu.memref_slice %arg3[%add3A_250] : memref<327680xi32, #tpu.memory_space<hbm>> -> memref<128xi32, #tpu.memory_space<hbm>>
        %dma_start3A_252 = tpu.memref_slice %arg3[%add3A_250] : memref<327680xi32, #tpu.memory_space<hbm>> -> memref<128xi32, #tpu.memory_space<hbm>>
        tpu.enqueue_dma source(%dma_start3A_252 : memref<128xi32, #tpu.memory_space<hbm>>) target(%arg10 : memref<128xi32, #tpu.memory_space<vmem>>) target_semaphore(%arg27 : memref<!tpu.dma_semaphore, #tpu.memory_space<semaphore_mem>>)
        %mul3A_253 = arith.constant 128 : i32
        %mul3A_254 = arith.muli %add3A_247, %mul3A_253 : i32
        %add3A_255 = arith.addi %mul3A_36, %mul3A_254 : i32
        %dma_start3A_256 = tpu.memref_slice %arg4[%add3A_255] : memref<327680xi32, #tpu.memory_space<hbm>> -> memref<128xi32, #tpu.memory_space<hbm>>
        %dma_start3A_257 = tpu.memref_slice %arg4[%add3A_255] : memref<327680xi32, #tpu.memory_space<hbm>> -> memref<128xi32, #tpu.memory_space<hbm>>
        tpu.enqueue_dma source(%dma_start3A_257 : memref<128xi32, #tpu.memory_space<hbm>>) target(%arg14 : memref<128xi32, #tpu.memory_space<vmem>>) target_semaphore(%arg27 : memref<!tpu.dma_semaphore, #tpu.memory_space<semaphore_mem>>)
      } else {
      }
      %mul3A_198 = arith.constant 4 : i32
      %mul3A_199 = arith.muli %scan3A_84, %mul3A_198 : i32
      %add3A_200 = arith.constant 2 : i32
      %add3A_201 = arith.addi %mul3A_199, %add3A_200 : i32
      %dma_wait3A_202 = arith.constant 0 : i32
      %dma_wait3A_203 = arith.constant 0 : i32
      %dma_wait3A_204 = tpu.memref_slice %arg23[%dma_wait3A_202, %dma_wait3A_203] : memref<10240x64xf32, #tpu.memory_space<vmem_shared>> -> memref<10240x64xf32, #tpu.memory_space<vmem_shared>>
      tpu.wait_indirect_dma semaphore(%arg32 : memref<!tpu.dma_semaphore, #tpu.memory_space<semaphore_mem>>) src(%dma_wait3A_204 : memref<10240x64xf32, #tpu.memory_space<vmem_shared>>) dst(%arg19 : memref<128x64xf32, #tpu.memory_space<vmem>>)
      "tpu.region"() ({
        %run_scoped3A = tpu.sem_alloc : memref<!tpu.dma_semaphore, #tpu.memory_space<semaphore_mem>>
        %dma_start3A_246 = arith.constant 0 : i32
        %dma_start3A_247 = arith.constant 0 : i32
        %dma_start3A_248 = tpu.memref_slice %arg24[%dma_start3A_246, %dma_start3A_247] : memref<10240x64xf32, #tpu.memory_space<vmem_shared>> -> memref<10240x64xf32, #tpu.memory_space<vmem_shared>>
        tpu.enqueue_indirect_dma source(%arg19 : memref<128x64xf32, #tpu.memory_space<vmem>>) target(%dma_start3A_248 : memref<10240x64xf32, #tpu.memory_space<vmem_shared>>) offsets(%arg15 : memref<128xi32, #tpu.memory_space<vmem>>) semaphore(%run_scoped3A : memref<!tpu.dma_semaphore, #tpu.memory_space<semaphore_mem>>) {add = true}
        %dma_wait3A_249 = arith.constant 0 : i32
        %dma_wait3A_250 = arith.constant 0 : i32
        %dma_wait3A_251 = tpu.memref_slice %arg24[%dma_wait3A_249, %dma_wait3A_250] : memref<10240x64xf32, #tpu.memory_space<vmem_shared>> -> memref<10240x64xf32, #tpu.memory_space<vmem_shared>>
        tpu.wait_indirect_dma semaphore(%run_scoped3A : memref<!tpu.dma_semaphore, #tpu.memory_space<semaphore_mem>>) src(%arg19 : memref<128x64xf32, #tpu.memory_space<vmem>>) dst(%dma_wait3A_251 : memref<10240x64xf32, #tpu.memory_space<vmem_shared>>)
        tpu.yield
      }) : () -> ()
      %eq3A_205 = arith.constant 0 : i32
      %eq3A_206 = arith.cmpi eq, %arg0, %eq3A_205 : i32
      %lt3A_207 = arith.constant 80 : i32
      %lt3A_208 = arith.cmpi slt, %add3A_201, %lt3A_207 : i32
      %ge3A_209 = arith.constant 80 : i32
      %ge3A_210 = arith.cmpi sge, %add3A_201, %ge3A_209 : i32
      %select_n3A_211 = arith.select %eq3A_206, %lt3A_208, %ge3A_210 : i1
      %convert_element_type3A_212 = arith.extui %select_n3A_211 : i1 to i32
      %cond3A_213 = arith.constant 0 : i32
      %cond3A_214 = arith.cmpi ne, %convert_element_type3A_212, %cond3A_213 : i32
      scf.if %cond3A_214 {
        "tpu.region"() ({
          %run_scoped3A = tpu.sem_alloc : memref<!tpu.dma_semaphore, #tpu.memory_space<semaphore_mem>>
          %dma_start3A_246 = arith.constant 0 : i32
          %dma_start3A_247 = tpu.memref_slice %arg25[%dma_start3A_246] : memref<10240xf32, #tpu.memory_space<vmem_shared>> -> memref<10240xf32, #tpu.memory_space<vmem_shared>>
          tpu.enqueue_indirect_dma source(%arg21 : memref<128xf32, #tpu.memory_space<vmem>>) target(%dma_start3A_247 : memref<10240xf32, #tpu.memory_space<vmem_shared>>) offsets(%arg15 : memref<128xi32, #tpu.memory_space<vmem>>) semaphore(%run_scoped3A : memref<!tpu.dma_semaphore, #tpu.memory_space<semaphore_mem>>) {add = true}
          %dma_wait3A_248 = arith.constant 0 : i32
          %dma_wait3A_249 = tpu.memref_slice %arg25[%dma_wait3A_248] : memref<10240xf32, #tpu.memory_space<vmem_shared>> -> memref<10240xf32, #tpu.memory_space<vmem_shared>>
          tpu.wait_indirect_dma semaphore(%run_scoped3A : memref<!tpu.dma_semaphore, #tpu.memory_space<semaphore_mem>>) src(%arg21 : memref<128xf32, #tpu.memory_space<vmem>>) dst(%dma_wait3A_249 : memref<10240xf32, #tpu.memory_space<vmem_shared>>)
          tpu.yield
        }) : () -> ()
      } else {
      }
      %add3A_215 = arith.constant 4 : i32
      %add3A_216 = arith.addi %add3A_201, %add3A_215 : i32
      %lt3A_217 = arith.constant 160 : i32
      %lt3A_218 = arith.cmpi slt, %add3A_216, %lt3A_217 : i32
      %convert_element_type3A_219 = arith.extui %lt3A_218 : i1 to i32
      %cond3A_220 = arith.constant 0 : i32
      %cond3A_221 = arith.cmpi ne, %convert_element_type3A_219, %cond3A_220 : i32
      scf.if %cond3A_221 {
        %add3A_246 = arith.constant 4 : i32
        %add3A_247 = arith.addi %add3A_201, %add3A_246 : i32
        %mul3A_248 = arith.constant 128 : i32
        %mul3A_249 = arith.muli %add3A_247, %mul3A_248 : i32
        %add3A_250 = arith.addi %mul3A_36, %mul3A_249 : i32
        %dma_start3A_251 = tpu.memref_slice %arg3[%add3A_250] : memref<327680xi32, #tpu.memory_space<hbm>> -> memref<128xi32, #tpu.memory_space<hbm>>
        %dma_start3A_252 = tpu.memref_slice %arg3[%add3A_250] : memref<327680xi32, #tpu.memory_space<hbm>> -> memref<128xi32, #tpu.memory_space<hbm>>
        tpu.enqueue_dma source(%dma_start3A_252 : memref<128xi32, #tpu.memory_space<hbm>>) target(%arg11 : memref<128xi32, #tpu.memory_space<vmem>>) target_semaphore(%arg28 : memref<!tpu.dma_semaphore, #tpu.memory_space<semaphore_mem>>)
        %mul3A_253 = arith.constant 128 : i32
        %mul3A_254 = arith.muli %add3A_247, %mul3A_253 : i32
        %add3A_255 = arith.addi %mul3A_36, %mul3A_254 : i32
        %dma_start3A_256 = tpu.memref_slice %arg4[%add3A_255] : memref<327680xi32, #tpu.memory_space<hbm>> -> memref<128xi32, #tpu.memory_space<hbm>>
        %dma_start3A_257 = tpu.memref_slice %arg4[%add3A_255] : memref<327680xi32, #tpu.memory_space<hbm>> -> memref<128xi32, #tpu.memory_space<hbm>>
        tpu.enqueue_dma source(%dma_start3A_257 : memref<128xi32, #tpu.memory_space<hbm>>) target(%arg15 : memref<128xi32, #tpu.memory_space<vmem>>) target_semaphore(%arg28 : memref<!tpu.dma_semaphore, #tpu.memory_space<semaphore_mem>>)
      } else {
      }
      %mul3A_222 = arith.constant 4 : i32
      %mul3A_223 = arith.muli %scan3A_84, %mul3A_222 : i32
      %add3A_224 = arith.constant 3 : i32
      %add3A_225 = arith.addi %mul3A_223, %add3A_224 : i32
      %dma_wait3A_226 = arith.constant 0 : i32
      %dma_wait3A_227 = arith.constant 0 : i32
      %dma_wait3A_228 = tpu.memref_slice %arg23[%dma_wait3A_226, %dma_wait3A_227] : memref<10240x64xf32, #tpu.memory_space<vmem_shared>> -> memref<10240x64xf32, #tpu.memory_space<vmem_shared>>
      tpu.wait_indirect_dma semaphore(%arg33 : memref<!tpu.dma_semaphore, #tpu.memory_space<semaphore_mem>>) src(%dma_wait3A_228 : memref<10240x64xf32, #tpu.memory_space<vmem_shared>>) dst(%arg20 : memref<128x64xf32, #tpu.memory_space<vmem>>)
      "tpu.region"() ({
        %run_scoped3A = tpu.sem_alloc : memref<!tpu.dma_semaphore, #tpu.memory_space<semaphore_mem>>
        %dma_start3A_246 = arith.constant 0 : i32
        %dma_start3A_247 = arith.constant 0 : i32
        %dma_start3A_248 = tpu.memref_slice %arg24[%dma_start3A_246, %dma_start3A_247] : memref<10240x64xf32, #tpu.memory_space<vmem_shared>> -> memref<10240x64xf32, #tpu.memory_space<vmem_shared>>
        tpu.enqueue_indirect_dma source(%arg20 : memref<128x64xf32, #tpu.memory_space<vmem>>) target(%dma_start3A_248 : memref<10240x64xf32, #tpu.memory_space<vmem_shared>>) offsets(%arg16 : memref<128xi32, #tpu.memory_space<vmem>>) semaphore(%run_scoped3A : memref<!tpu.dma_semaphore, #tpu.memory_space<semaphore_mem>>) {add = true}
        %dma_wait3A_249 = arith.constant 0 : i32
        %dma_wait3A_250 = arith.constant 0 : i32
        %dma_wait3A_251 = tpu.memref_slice %arg24[%dma_wait3A_249, %dma_wait3A_250] : memref<10240x64xf32, #tpu.memory_space<vmem_shared>> -> memref<10240x64xf32, #tpu.memory_space<vmem_shared>>
        tpu.wait_indirect_dma semaphore(%run_scoped3A : memref<!tpu.dma_semaphore, #tpu.memory_space<semaphore_mem>>) src(%arg20 : memref<128x64xf32, #tpu.memory_space<vmem>>) dst(%dma_wait3A_251 : memref<10240x64xf32, #tpu.memory_space<vmem_shared>>)
        tpu.yield
      }) : () -> ()
      %eq3A_229 = arith.constant 0 : i32
      %eq3A_230 = arith.cmpi eq, %arg0, %eq3A_229 : i32
      %lt3A_231 = arith.constant 80 : i32
      %lt3A_232 = arith.cmpi slt, %add3A_225, %lt3A_231 : i32
      %ge3A_233 = arith.constant 80 : i32
      %ge3A_234 = arith.cmpi sge, %add3A_225, %ge3A_233 : i32
      %select_n3A_235 = arith.select %eq3A_230, %lt3A_232, %ge3A_234 : i1
      %convert_element_type3A_236 = arith.extui %select_n3A_235 : i1 to i32
      %cond3A_237 = arith.constant 0 : i32
      %cond3A_238 = arith.cmpi ne, %convert_element_type3A_236, %cond3A_237 : i32
      scf.if %cond3A_238 {
        "tpu.region"() ({
          %run_scoped3A = tpu.sem_alloc : memref<!tpu.dma_semaphore, #tpu.memory_space<semaphore_mem>>
          %dma_start3A_246 = arith.constant 0 : i32
          %dma_start3A_247 = tpu.memref_slice %arg25[%dma_start3A_246] : memref<10240xf32, #tpu.memory_space<vmem_shared>> -> memref<10240xf32, #tpu.memory_space<vmem_shared>>
          tpu.enqueue_indirect_dma source(%arg21 : memref<128xf32, #tpu.memory_space<vmem>>) target(%dma_start3A_247 : memref<10240xf32, #tpu.memory_space<vmem_shared>>) offsets(%arg16 : memref<128xi32, #tpu.memory_space<vmem>>) semaphore(%run_scoped3A : memref<!tpu.dma_semaphore, #tpu.memory_space<semaphore_mem>>) {add = true}
          %dma_wait3A_248 = arith.constant 0 : i32
          %dma_wait3A_249 = tpu.memref_slice %arg25[%dma_wait3A_248] : memref<10240xf32, #tpu.memory_space<vmem_shared>> -> memref<10240xf32, #tpu.memory_space<vmem_shared>>
          tpu.wait_indirect_dma semaphore(%run_scoped3A : memref<!tpu.dma_semaphore, #tpu.memory_space<semaphore_mem>>) src(%arg21 : memref<128xf32, #tpu.memory_space<vmem>>) dst(%dma_wait3A_249 : memref<10240xf32, #tpu.memory_space<vmem_shared>>)
          tpu.yield
        }) : () -> ()
      } else {
      }
      %add3A_239 = arith.constant 4 : i32
      %add3A_240 = arith.addi %add3A_225, %add3A_239 : i32
      %lt3A_241 = arith.constant 160 : i32
      %lt3A_242 = arith.cmpi slt, %add3A_240, %lt3A_241 : i32
      %convert_element_type3A_243 = arith.extui %lt3A_242 : i1 to i32
      %cond3A_244 = arith.constant 0 : i32
      %cond3A_245 = arith.cmpi ne, %convert_element_type3A_243, %cond3A_244 : i32
      scf.if %cond3A_245 {
        %add3A_246 = arith.constant 4 : i32
        %add3A_247 = arith.addi %add3A_225, %add3A_246 : i32
        %mul3A_248 = arith.constant 128 : i32
        %mul3A_249 = arith.muli %add3A_247, %mul3A_248 : i32
        %add3A_250 = arith.addi %mul3A_36, %mul3A_249 : i32
        %dma_start3A_251 = tpu.memref_slice %arg3[%add3A_250] : memref<327680xi32, #tpu.memory_space<hbm>> -> memref<128xi32, #tpu.memory_space<hbm>>
        %dma_start3A_252 = tpu.memref_slice %arg3[%add3A_250] : memref<327680xi32, #tpu.memory_space<hbm>> -> memref<128xi32, #tpu.memory_space<hbm>>
        tpu.enqueue_dma source(%dma_start3A_252 : memref<128xi32, #tpu.memory_space<hbm>>) target(%arg12 : memref<128xi32, #tpu.memory_space<vmem>>) target_semaphore(%arg29 : memref<!tpu.dma_semaphore, #tpu.memory_space<semaphore_mem>>)
        %mul3A_253 = arith.constant 128 : i32
        %mul3A_254 = arith.muli %add3A_247, %mul3A_253 : i32
        %add3A_255 = arith.addi %mul3A_36, %mul3A_254 : i32
        %dma_start3A_256 = tpu.memref_slice %arg4[%add3A_255] : memref<327680xi32, #tpu.memory_space<hbm>> -> memref<128xi32, #tpu.memory_space<hbm>>
        %dma_start3A_257 = tpu.memref_slice %arg4[%add3A_255] : memref<327680xi32, #tpu.memory_space<hbm>> -> memref<128xi32, #tpu.memory_space<hbm>>
        tpu.enqueue_dma source(%dma_start3A_257 : memref<128xi32, #tpu.memory_space<hbm>>) target(%arg16 : memref<128xi32, #tpu.memory_space<vmem>>) target_semaphore(%arg29 : memref<!tpu.dma_semaphore, #tpu.memory_space<semaphore_mem>>)
      } else {
      }
    }
    %scan3A_72 = arith.constant 40 : i32
    %barrier3A_73 = arith.constant 0 : index
    tpu.barrier barrier_id(%barrier3A_73)
    %eq3A_74 = arith.constant 0 : i32
    %eq3A_75 = arith.cmpi eq, %arg0, %eq3A_74 : i32
    %convert_element_type3A_76 = arith.extui %eq3A_75 : i1 to i32
    %cond3A_77 = arith.constant 0 : i32
    %cond3A_78 = arith.cmpi ne, %convert_element_type3A_76, %cond3A_77 : i32
    scf.if %cond3A_78 {
      "tpu.region"() ({
        %run_scoped3A = tpu.sem_alloc : memref<!tpu.dma_semaphore, #tpu.memory_space<semaphore_mem>>
        %dma_start3A_84 = arith.constant 0 : i32
        %dma_start3A_85 = tpu.memref_slice %arg5[%mul3A_3, %dma_start3A_84] : memref<10240x64xf32, #tpu.memory_space<hbm>> -> memref<640x64xf32, #tpu.memory_space<hbm>>
        %dma_start3A_86 = arith.constant 0 : i32
        %dma_start3A_87 = tpu.memref_slice %arg24[%mul3A_3, %dma_start3A_86] : memref<10240x64xf32, #tpu.memory_space<vmem_shared>> -> memref<640x64xf32, #tpu.memory_space<vmem_shared>>
        tpu.enqueue_dma source(%dma_start3A_87 : memref<640x64xf32, #tpu.memory_space<vmem_shared>>) target(%dma_start3A_85 : memref<640x64xf32, #tpu.memory_space<hbm>>) target_semaphore(%run_scoped3A : memref<!tpu.dma_semaphore, #tpu.memory_space<semaphore_mem>>)
        %dma_wait3A = arith.constant 0 : i32
        %dma_wait3A_88 = tpu.memref_slice %arg5[%mul3A_3, %dma_wait3A] : memref<10240x64xf32, #tpu.memory_space<hbm>> -> memref<640x64xf32, #tpu.memory_space<hbm>>
        %dma_wait3A_89 = arith.constant 0 : i32
        %dma_wait3A_90 = tpu.memref_slice %arg24[%mul3A_3, %dma_wait3A_89] : memref<10240x64xf32, #tpu.memory_space<vmem_shared>> -> memref<640x64xf32, #tpu.memory_space<vmem_shared>>
        tpu.wait_dma2 semaphore(%run_scoped3A : memref<!tpu.dma_semaphore, #tpu.memory_space<semaphore_mem>>) src(%dma_wait3A_90 : memref<640x64xf32, #tpu.memory_space<vmem_shared>>) dst(%dma_wait3A_88 : memref<640x64xf32, #tpu.memory_space<hbm>>)
        tpu.yield
      }) : () -> ()
      "tpu.region"() ({
        %run_scoped3A = tpu.sem_alloc : memref<!tpu.dma_semaphore, #tpu.memory_space<semaphore_mem>>
        %dma_start3A_84 = tpu.memref_slice %arg7[%mul3A_3] : memref<10240xf32, #tpu.memory_space<hbm>> -> memref<640xf32, #tpu.memory_space<hbm>>
        %dma_start3A_85 = tpu.memref_slice %arg25[%mul3A_3] : memref<10240xf32, #tpu.memory_space<vmem_shared>> -> memref<640xf32, #tpu.memory_space<vmem_shared>>
        tpu.enqueue_dma source(%dma_start3A_85 : memref<640xf32, #tpu.memory_space<vmem_shared>>) target(%dma_start3A_84 : memref<640xf32, #tpu.memory_space<hbm>>) target_semaphore(%run_scoped3A : memref<!tpu.dma_semaphore, #tpu.memory_space<semaphore_mem>>)
        %dma_wait3A = tpu.memref_slice %arg7[%mul3A_3] : memref<10240xf32, #tpu.memory_space<hbm>> -> memref<640xf32, #tpu.memory_space<hbm>>
        %dma_wait3A_86 = tpu.memref_slice %arg25[%mul3A_3] : memref<10240xf32, #tpu.memory_space<vmem_shared>> -> memref<640xf32, #tpu.memory_space<vmem_shared>>
        tpu.wait_dma2 semaphore(%run_scoped3A : memref<!tpu.dma_semaphore, #tpu.memory_space<semaphore_mem>>) src(%dma_wait3A_86 : memref<640xf32, #tpu.memory_space<vmem_shared>>) dst(%dma_wait3A : memref<640xf32, #tpu.memory_space<hbm>>)
        tpu.yield
      }) : () -> ()
    } else {
    }
    %eq3A_79 = arith.constant 1 : i32
    %eq3A_80 = arith.cmpi eq, %arg0, %eq3A_79 : i32
    %convert_element_type3A_81 = arith.extui %eq3A_80 : i1 to i32
    %cond3A_82 = arith.constant 0 : i32
    %cond3A_83 = arith.cmpi ne, %convert_element_type3A_81, %cond3A_82 : i32
    scf.if %cond3A_83 {
      "tpu.region"() ({
        %run_scoped3A = tpu.sem_alloc : memref<!tpu.dma_semaphore, #tpu.memory_space<semaphore_mem>>
        %dma_start3A_84 = arith.constant 0 : i32
        %dma_start3A_85 = tpu.memref_slice %arg6[%mul3A_3, %dma_start3A_84] : memref<10240x64xf32, #tpu.memory_space<hbm>> -> memref<640x64xf32, #tpu.memory_space<hbm>>
        %dma_start3A_86 = arith.constant 0 : i32
        %dma_start3A_87 = tpu.memref_slice %arg24[%mul3A_3, %dma_start3A_86] : memref<10240x64xf32, #tpu.memory_space<vmem_shared>> -> memref<640x64xf32, #tpu.memory_space<vmem_shared>>
        tpu.enqueue_dma source(%dma_start3A_87 : memref<640x64xf32, #tpu.memory_space<vmem_shared>>) target(%dma_start3A_85 : memref<640x64xf32, #tpu.memory_space<hbm>>) target_semaphore(%run_scoped3A : memref<!tpu.dma_semaphore, #tpu.memory_space<semaphore_mem>>)
        %dma_wait3A = arith.constant 0 : i32
        %dma_wait3A_88 = tpu.memref_slice %arg6[%mul3A_3, %dma_wait3A] : memref<10240x64xf32, #tpu.memory_space<hbm>> -> memref<640x64xf32, #tpu.memory_space<hbm>>
        %dma_wait3A_89 = arith.constant 0 : i32
        %dma_wait3A_90 = tpu.memref_slice %arg24[%mul3A_3, %dma_wait3A_89] : memref<10240x64xf32, #tpu.memory_space<vmem_shared>> -> memref<640x64xf32, #tpu.memory_space<vmem_shared>>
        tpu.wait_dma2 semaphore(%run_scoped3A : memref<!tpu.dma_semaphore, #tpu.memory_space<semaphore_mem>>) src(%dma_wait3A_90 : memref<640x64xf32, #tpu.memory_space<vmem_shared>>) dst(%dma_wait3A_88 : memref<640x64xf32, #tpu.memory_space<hbm>>)
        tpu.yield
      }) : () -> ()
      "tpu.region"() ({
        %run_scoped3A = tpu.sem_alloc : memref<!tpu.dma_semaphore, #tpu.memory_space<semaphore_mem>>
        %dma_start3A_84 = tpu.memref_slice %arg8[%mul3A_3] : memref<10240xf32, #tpu.memory_space<hbm>> -> memref<640xf32, #tpu.memory_space<hbm>>
        %dma_start3A_85 = tpu.memref_slice %arg25[%mul3A_3] : memref<10240xf32, #tpu.memory_space<vmem_shared>> -> memref<640xf32, #tpu.memory_space<vmem_shared>>
        tpu.enqueue_dma source(%dma_start3A_85 : memref<640xf32, #tpu.memory_space<vmem_shared>>) target(%dma_start3A_84 : memref<640xf32, #tpu.memory_space<hbm>>) target_semaphore(%run_scoped3A : memref<!tpu.dma_semaphore, #tpu.memory_space<semaphore_mem>>)
        %dma_wait3A = tpu.memref_slice %arg8[%mul3A_3] : memref<10240xf32, #tpu.memory_space<hbm>> -> memref<640xf32, #tpu.memory_space<hbm>>
        %dma_wait3A_86 = tpu.memref_slice %arg25[%mul3A_3] : memref<10240xf32, #tpu.memory_space<vmem_shared>> -> memref<640xf32, #tpu.memory_space<vmem_shared>>
        tpu.wait_dma2 semaphore(%run_scoped3A : memref<!tpu.dma_semaphore, #tpu.memory_space<semaphore_mem>>) src(%dma_wait3A_86 : memref<640xf32, #tpu.memory_space<vmem_shared>>) dst(%dma_wait3A : memref<640xf32, #tpu.memory_space<hbm>>)
        tpu.yield
      }) : () -> ()
    } else {
    }
    return
  }
}

module attributes {stable_mosaic.version = 14 : i64} {
  func.func @_tc_combine_body(%arg0: i32, %arg1: memref<1000x128xf32, #tpu.memory_space<vmem>>, %arg2: memref<1000x64xf32, #tpu.memory_space<vmem>>, %arg3: memref<1000x64xf32, #tpu.memory_space<vmem>>, %arg4: memref<1000x1xf32, #tpu.memory_space<vmem>>, %arg5: memref<1000x1xf32, #tpu.memory_space<vmem>>, %arg6: memref<64x128xf32, #tpu.memory_space<vmem>>, %arg7: memref<64x128xf32, #tpu.memory_space<vmem>>, %arg8: memref<128x128xf32, #tpu.memory_space<vmem>>, %arg9: memref<128x128xf32, #tpu.memory_space<vmem>>, %arg10: memref<1x128xf32, #tpu.memory_space<vmem>>, %arg11: memref<1x128xf32, #tpu.memory_space<vmem>>, %arg12: memref<1000x128xf32, #tpu.memory_space<vmem>>) attributes {dimension_semantics = [#tpu.dimension_semantics<arbitrary>], iteration_bounds = array<i64: 10>, scalar_prefetch = 0 : i64, scratch_operands = 0 : i64, tpu.core_type = #tpu.core_type<tc>, window_params = [{transform_indices = @transform_0, window_bounds = array<i64: 1000, 128>}, {transform_indices = @transform_1, window_bounds = array<i64: 1000, 64>}, {transform_indices = @transform_2, window_bounds = array<i64: 1000, 64>}, {transform_indices = @transform_3, window_bounds = array<i64: 1000, 1>}, {transform_indices = @transform_4, window_bounds = array<i64: 1000, 1>}, {transform_indices = @transform_5, window_bounds = array<i64: 64, 128>}, {transform_indices = @transform_6, window_bounds = array<i64: 64, 128>}, {pipeline_mode = #tpu.pipeline_mode<synchronous>, transform_indices = @transform_7, window_bounds = array<i64: 128, 128>}, {pipeline_mode = #tpu.pipeline_mode<synchronous>, transform_indices = @transform_8, window_bounds = array<i64: 128, 128>}, {pipeline_mode = #tpu.pipeline_mode<synchronous>, transform_indices = @transform_9, window_bounds = array<i64: 1, 128>}, {pipeline_mode = #tpu.pipeline_mode<synchronous>, transform_indices = @transform_10, window_bounds = array<i64: 1, 128>}, {transform_indices = @transform_11, window_bounds = array<i64: 1000, 128>}]} {
    %get3A = arith.constant 0 : index
    %get3A_0 = arith.constant 0 : index
    %get3A_1 = vector.load %arg1[%get3A, %get3A_0] : memref<1000x128xf32, #tpu.memory_space<vmem>>, vector<1000x128xf32>
    %get3A_2 = arith.constant 0 : index
    %get3A_3 = arith.constant 0 : index
    %get3A_4 = vector.load %arg4[%get3A_2, %get3A_3] : memref<1000x1xf32, #tpu.memory_space<vmem>>, vector<1000x1xf32>
    %get3A_5 = arith.constant 0 : index
    %get3A_6 = arith.constant 0 : index
    %get3A_7 = vector.load %arg5[%get3A_5, %get3A_6] : memref<1000x1xf32, #tpu.memory_space<vmem>>, vector<1000x1xf32>
    %add3A = arith.addf %get3A_4, %get3A_7 : vector<1000x1xf32>
    %get3A_8 = arith.constant 0 : index
    %get3A_9 = arith.constant 0 : index
    %get3A_10 = vector.load %arg2[%get3A_8, %get3A_9] : memref<1000x64xf32, #tpu.memory_space<vmem>>, vector<1000x64xf32>
    %get3A_11 = arith.constant 0 : index
    %get3A_12 = arith.constant 0 : index
    %get3A_13 = vector.load %arg6[%get3A_11, %get3A_12] : memref<64x128xf32, #tpu.memory_space<vmem>>, vector<64x128xf32>
    %dot_general3A = arith.constant dense<0.000000e+00> : vector<1000x128xf32>
    %dot_general3A_14 = tpu.matmul %get3A_10, %get3A_13, %dot_general3A {dimension_numbers = #tpu.dot_dimension_numbers<[1], [0], [0], [1], [0, 0, 1, 1], [], []>, transpose_lhs_hint = false} : vector<1000x64xf32>, vector<64x128xf32>, vector<1000x128xf32> -> vector<1000x128xf32>
    %get3A_15 = arith.constant 0 : index
    %get3A_16 = arith.constant 0 : index
    %get3A_17 = vector.load %arg3[%get3A_15, %get3A_16] : memref<1000x64xf32, #tpu.memory_space<vmem>>, vector<1000x64xf32>
    %get3A_18 = arith.constant 0 : index
    %get3A_19 = arith.constant 0 : index
    %get3A_20 = vector.load %arg7[%get3A_18, %get3A_19] : memref<64x128xf32, #tpu.memory_space<vmem>>, vector<64x128xf32>
    %dot_general3A_21 = arith.constant dense<0.000000e+00> : vector<1000x128xf32>
    %dot_general3A_22 = tpu.matmul %get3A_17, %get3A_20, %dot_general3A_21 {dimension_numbers = #tpu.dot_dimension_numbers<[1], [0], [0], [1], [0, 0, 1, 1], [], []>, transpose_lhs_hint = false} : vector<1000x64xf32>, vector<64x128xf32>, vector<1000x128xf32> -> vector<1000x128xf32>
    %add3A_23 = arith.addf %dot_general3A_14, %dot_general3A_22 : vector<1000x128xf32>
    %get3A_24 = arith.constant 0 : index
    %get3A_25 = arith.constant 0 : index
    %get3A_26 = vector.load %arg10[%get3A_24, %get3A_25] : memref<1x128xf32, #tpu.memory_space<vmem>>, vector<1x128xf32>
    %get3A_27 = arith.constant 0 : index
    %get3A_28 = arith.constant 0 : index
    %get3A_29 = vector.load %arg8[%get3A_27, %get3A_28] : memref<128x128xf32, #tpu.memory_space<vmem>>, vector<128x128xf32>
    %dot_general3A_30 = arith.constant dense<0.000000e+00> : vector<1000x128xf32>
    %dot_general3A_31 = tpu.matmul %get3A_1, %get3A_29, %dot_general3A_30 {dimension_numbers = #tpu.dot_dimension_numbers<[1], [0], [0], [1], [0, 0, 1, 1], [], []>, transpose_lhs_hint = false} : vector<1000x128xf32>, vector<128x128xf32>, vector<1000x128xf32> -> vector<1000x128xf32>
    %sub3A = vector.broadcast %get3A_26 : vector<1x128xf32> to vector<1000x128xf32>
    %sub3A_32 = arith.subf %sub3A, %dot_general3A_31 : vector<1000x128xf32>
    %mul3A = vector.broadcast %add3A : vector<1000x1xf32> to vector<1000x128xf32>
    %mul3A_33 = arith.mulf %mul3A, %sub3A_32 : vector<1000x128xf32>
    %add3A_34 = arith.addf %add3A_23, %mul3A_33 : vector<1000x128xf32>
    %get3A_35 = arith.constant 0 : index
    %get3A_36 = arith.constant 0 : index
    %get3A_37 = vector.load %arg9[%get3A_35, %get3A_36] : memref<128x128xf32, #tpu.memory_space<vmem>>, vector<128x128xf32>
    %dot_general3A_38 = arith.constant dense<0.000000e+00> : vector<1000x128xf32>
    %dot_general3A_39 = tpu.matmul %get3A_1, %get3A_37, %dot_general3A_38 {dimension_numbers = #tpu.dot_dimension_numbers<[1], [0], [0], [1], [0, 0, 1, 1], [], []>, transpose_lhs_hint = false} : vector<1000x128xf32>, vector<128x128xf32>, vector<1000x128xf32> -> vector<1000x128xf32>
    %add3A_40 = arith.addf %add3A_34, %dot_general3A_39 : vector<1000x128xf32>
    %get3A_41 = arith.constant 0 : index
    %get3A_42 = arith.constant 0 : index
    %get3A_43 = vector.load %arg11[%get3A_41, %get3A_42] : memref<1x128xf32, #tpu.memory_space<vmem>>, vector<1x128xf32>
    %add3A_44 = vector.broadcast %get3A_43 : vector<1x128xf32> to vector<1000x128xf32>
    %add3A_45 = arith.addf %add3A_40, %add3A_44 : vector<1000x128xf32>
    %max3A = arith.constant 0.000000e+00 : f32
    %max3A_46 = vector.broadcast %max3A : f32 to vector<1000x128xf32>
    %max3A_47 = arith.maximumf %add3A_45, %max3A_46 : vector<1000x128xf32>
    %swap3A = arith.constant 0 : index
    %swap3A_48 = arith.constant 0 : index
    %swap3A_49 = vector.load %arg12[%swap3A, %swap3A_48] : memref<1000x128xf32, #tpu.memory_space<vmem>>, vector<1000x128xf32>
    tpu.vector_store %arg12[%swap3A, %swap3A_48], %max3A_47 {strides = array<i32>} : memref<1000x128xf32, #tpu.memory_space<vmem>>, vector<1000x128xf32>,
    return
  }
  func.func @transform_0(%arg0: i32) -> (i32, i32) {
    %c0_i32 = arith.constant 0 : i32
    %c0_i32_0 = arith.constant 0 : i32
    return %arg0, %c0_i32 : i32, i32
  }
  func.func @transform_1(%arg0: i32) -> (i32, i32) {
    %c0_i32 = arith.constant 0 : i32
    %c0_i32_0 = arith.constant 0 : i32
    return %arg0, %c0_i32 : i32, i32
  }
  func.func @transform_2(%arg0: i32) -> (i32, i32) {
    %c0_i32 = arith.constant 0 : i32
    %c0_i32_0 = arith.constant 0 : i32
    return %arg0, %c0_i32 : i32, i32
  }
  func.func @transform_3(%arg0: i32) -> (i32, i32) {
    %c0_i32 = arith.constant 0 : i32
    %c0_i32_0 = arith.constant 0 : i32
    return %arg0, %c0_i32 : i32, i32
  }
  func.func @transform_4(%arg0: i32) -> (i32, i32) {
    %c0_i32 = arith.constant 0 : i32
    %c0_i32_0 = arith.constant 0 : i32
    return %arg0, %c0_i32 : i32, i32
  }
  func.func @transform_5(%arg0: i32) -> (i32, i32) {
    %c0_i32 = arith.constant 0 : i32
    %c0_i32_0 = arith.constant 0 : i32
    %c0_i32_1 = arith.constant 0 : i32
    return %c0_i32, %c0_i32_0 : i32, i32
  }
  func.func @transform_6(%arg0: i32) -> (i32, i32) {
    %c1_i32 = arith.constant 1 : i32
    %c0_i32 = arith.constant 0 : i32
    %c0_i32_0 = arith.constant 0 : i32
    return %c1_i32, %c0_i32 : i32, i32
  }
  func.func @transform_7(%arg0: i32) -> (i32, i32) {
    %c0_i32 = arith.constant 0 : i32
    %c0_i32_0 = arith.constant 0 : i32
    %c0_i32_1 = arith.constant 0 : i32
    return %c0_i32, %c0_i32_0 : i32, i32
  }
  func.func @transform_8(%arg0: i32) -> (i32, i32) {
    %c0_i32 = arith.constant 0 : i32
    %c0_i32_0 = arith.constant 0 : i32
    %c0_i32_1 = arith.constant 0 : i32
    return %c0_i32, %c0_i32_0 : i32, i32
  }
  func.func @transform_9(%arg0: i32) -> (i32, i32) {
    %c0_i32 = arith.constant 0 : i32
    %c0_i32_0 = arith.constant 0 : i32
    %c0_i32_1 = arith.constant 0 : i32
    return %c0_i32, %c0_i32_0 : i32, i32
  }
  func.func @transform_10(%arg0: i32) -> (i32, i32) {
    %c0_i32 = arith.constant 0 : i32
    %c0_i32_0 = arith.constant 0 : i32
    %c0_i32_1 = arith.constant 0 : i32
    return %c0_i32, %c0_i32_0 : i32, i32
  }
  func.func @transform_11(%arg0: i32) -> (i32, i32) {
    %c0_i32 = arith.constant 0 : i32
    %c0_i32_0 = arith.constant 0 : i32
    return %arg0, %c0_i32 : i32, i32
  }
}

module attributes {stable_mosaic.version = 14 : i64} {
  func.func @_tc_combine_body(%arg0: i32, %arg1: memref<1000x128xf32, #tpu.memory_space<vmem>>, %arg2: memref<1000x64xf32, #tpu.memory_space<vmem>>, %arg3: memref<1000x64xf32, #tpu.memory_space<vmem>>, %arg4: memref<1000x1xf32, #tpu.memory_space<vmem>>, %arg5: memref<1000x1xf32, #tpu.memory_space<vmem>>, %arg6: memref<64x128xf32, #tpu.memory_space<vmem>>, %arg7: memref<64x128xf32, #tpu.memory_space<vmem>>, %arg8: memref<128x128xf32, #tpu.memory_space<vmem>>, %arg9: memref<128x128xf32, #tpu.memory_space<vmem>>, %arg10: memref<1x128xf32, #tpu.memory_space<vmem>>, %arg11: memref<1x128xf32, #tpu.memory_space<vmem>>, %arg12: memref<1000x128xf32, #tpu.memory_space<vmem>>) attributes {dimension_semantics = [#tpu.dimension_semantics<arbitrary>], iteration_bounds = array<i64: 10>, scalar_prefetch = 0 : i64, scratch_operands = 0 : i64, tpu.core_type = #tpu.core_type<tc>, window_params = [{transform_indices = @transform_0, window_bounds = array<i64: 1000, 128>}, {transform_indices = @transform_1, window_bounds = array<i64: 1000, 64>}, {transform_indices = @transform_2, window_bounds = array<i64: 1000, 64>}, {transform_indices = @transform_3, window_bounds = array<i64: 1000, 1>}, {transform_indices = @transform_4, window_bounds = array<i64: 1000, 1>}, {transform_indices = @transform_5, window_bounds = array<i64: 64, 128>}, {transform_indices = @transform_6, window_bounds = array<i64: 64, 128>}, {pipeline_mode = #tpu.pipeline_mode<synchronous>, transform_indices = @transform_7, window_bounds = array<i64: 128, 128>}, {pipeline_mode = #tpu.pipeline_mode<synchronous>, transform_indices = @transform_8, window_bounds = array<i64: 128, 128>}, {pipeline_mode = #tpu.pipeline_mode<synchronous>, transform_indices = @transform_9, window_bounds = array<i64: 1, 128>}, {pipeline_mode = #tpu.pipeline_mode<synchronous>, transform_indices = @transform_10, window_bounds = array<i64: 1, 128>}, {transform_indices = @transform_11, window_bounds = array<i64: 1000, 128>}]} {
    %get3A = arith.constant 0 : index
    %get3A_0 = arith.constant 0 : index
    %get3A_1 = vector.load %arg1[%get3A, %get3A_0] : memref<1000x128xf32, #tpu.memory_space<vmem>>, vector<1000x128xf32>
    %get3A_2 = arith.constant 0 : index
    %get3A_3 = arith.constant 0 : index
    %get3A_4 = vector.load %arg4[%get3A_2, %get3A_3] : memref<1000x1xf32, #tpu.memory_space<vmem>>, vector<1000x1xf32>
    %get3A_5 = arith.constant 0 : index
    %get3A_6 = arith.constant 0 : index
    %get3A_7 = vector.load %arg5[%get3A_5, %get3A_6] : memref<1000x1xf32, #tpu.memory_space<vmem>>, vector<1000x1xf32>
    %add3A = arith.addf %get3A_4, %get3A_7 : vector<1000x1xf32>
    %get3A_8 = arith.constant 0 : index
    %get3A_9 = arith.constant 0 : index
    %get3A_10 = vector.load %arg2[%get3A_8, %get3A_9] : memref<1000x64xf32, #tpu.memory_space<vmem>>, vector<1000x64xf32>
    %get3A_11 = arith.constant 0 : index
    %get3A_12 = arith.constant 0 : index
    %get3A_13 = vector.load %arg6[%get3A_11, %get3A_12] : memref<64x128xf32, #tpu.memory_space<vmem>>, vector<64x128xf32>
    %dot_general3A = arith.constant dense<0.000000e+00> : vector<1000x128xf32>
    %dot_general3A_14 = tpu.matmul %get3A_10, %get3A_13, %dot_general3A {dimension_numbers = #tpu.dot_dimension_numbers<[1], [0], [0], [1], [0, 0, 1, 1], [], []>, transpose_lhs_hint = false} : vector<1000x64xf32>, vector<64x128xf32>, vector<1000x128xf32> -> vector<1000x128xf32>
    %get3A_15 = arith.constant 0 : index
    %get3A_16 = arith.constant 0 : index
    %get3A_17 = vector.load %arg3[%get3A_15, %get3A_16] : memref<1000x64xf32, #tpu.memory_space<vmem>>, vector<1000x64xf32>
    %get3A_18 = arith.constant 0 : index
    %get3A_19 = arith.constant 0 : index
    %get3A_20 = vector.load %arg7[%get3A_18, %get3A_19] : memref<64x128xf32, #tpu.memory_space<vmem>>, vector<64x128xf32>
    %dot_general3A_21 = arith.constant dense<0.000000e+00> : vector<1000x128xf32>
    %dot_general3A_22 = tpu.matmul %get3A_17, %get3A_20, %dot_general3A_21 {dimension_numbers = #tpu.dot_dimension_numbers<[1], [0], [0], [1], [0, 0, 1, 1], [], []>, transpose_lhs_hint = false} : vector<1000x64xf32>, vector<64x128xf32>, vector<1000x128xf32> -> vector<1000x128xf32>
    %add3A_23 = arith.addf %dot_general3A_14, %dot_general3A_22 : vector<1000x128xf32>
    %get3A_24 = arith.constant 0 : index
    %get3A_25 = arith.constant 0 : index
    %get3A_26 = vector.load %arg10[%get3A_24, %get3A_25] : memref<1x128xf32, #tpu.memory_space<vmem>>, vector<1x128xf32>
    %get3A_27 = arith.constant 0 : index
    %get3A_28 = arith.constant 0 : index
    %get3A_29 = vector.load %arg8[%get3A_27, %get3A_28] : memref<128x128xf32, #tpu.memory_space<vmem>>, vector<128x128xf32>
    %dot_general3A_30 = arith.constant dense<0.000000e+00> : vector<1000x128xf32>
    %dot_general3A_31 = tpu.matmul %get3A_1, %get3A_29, %dot_general3A_30 {dimension_numbers = #tpu.dot_dimension_numbers<[1], [0], [0], [1], [0, 0, 1, 1], [], []>, transpose_lhs_hint = false} : vector<1000x128xf32>, vector<128x128xf32>, vector<1000x128xf32> -> vector<1000x128xf32>
    %sub3A = vector.broadcast %get3A_26 : vector<1x128xf32> to vector<1000x128xf32>
    %sub3A_32 = arith.subf %sub3A, %dot_general3A_31 : vector<1000x128xf32>
    %mul3A = vector.broadcast %add3A : vector<1000x1xf32> to vector<1000x128xf32>
    %mul3A_33 = arith.mulf %mul3A, %sub3A_32 : vector<1000x128xf32>
    %add3A_34 = arith.addf %add3A_23, %mul3A_33 : vector<1000x128xf32>
    %get3A_35 = arith.constant 0 : index
    %get3A_36 = arith.constant 0 : index
    %get3A_37 = vector.load %arg9[%get3A_35, %get3A_36] : memref<128x128xf32, #tpu.memory_space<vmem>>, vector<128x128xf32>
    %dot_general3A_38 = arith.constant dense<0.000000e+00> : vector<1000x128xf32>
    %dot_general3A_39 = tpu.matmul %get3A_1, %get3A_37, %dot_general3A_38 {dimension_numbers = #tpu.dot_dimension_numbers<[1], [0], [0], [1], [0, 0, 1, 1], [], []>, transpose_lhs_hint = false} : vector<1000x128xf32>, vector<128x128xf32>, vector<1000x128xf32> -> vector<1000x128xf32>
    %add3A_40 = arith.addf %add3A_34, %dot_general3A_39 : vector<1000x128xf32>
    %get3A_41 = arith.constant 0 : index
    %get3A_42 = arith.constant 0 : index
    %get3A_43 = vector.load %arg11[%get3A_41, %get3A_42] : memref<1x128xf32, #tpu.memory_space<vmem>>, vector<1x128xf32>
    %add3A_44 = vector.broadcast %get3A_43 : vector<1x128xf32> to vector<1000x128xf32>
    %add3A_45 = arith.addf %add3A_40, %add3A_44 : vector<1000x128xf32>
    %swap3A = arith.constant 0 : index
    %swap3A_46 = arith.constant 0 : index
    %swap3A_47 = vector.load %arg12[%swap3A, %swap3A_46] : memref<1000x128xf32, #tpu.memory_space<vmem>>, vector<1000x128xf32>
    tpu.vector_store %arg12[%swap3A, %swap3A_46], %add3A_45 {strides = array<i32>} : memref<1000x128xf32, #tpu.memory_space<vmem>>, vector<1000x128xf32>,
    return
  }
  func.func @transform_0(%arg0: i32) -> (i32, i32) {
    %c0_i32 = arith.constant 0 : i32
    %c0_i32_0 = arith.constant 0 : i32
    return %arg0, %c0_i32 : i32, i32
  }
  func.func @transform_1(%arg0: i32) -> (i32, i32) {
    %c0_i32 = arith.constant 0 : i32
    %c0_i32_0 = arith.constant 0 : i32
    return %arg0, %c0_i32 : i32, i32
  }
  func.func @transform_2(%arg0: i32) -> (i32, i32) {
    %c0_i32 = arith.constant 0 : i32
    %c0_i32_0 = arith.constant 0 : i32
    return %arg0, %c0_i32 : i32, i32
  }
  func.func @transform_3(%arg0: i32) -> (i32, i32) {
    %c0_i32 = arith.constant 0 : i32
    %c0_i32_0 = arith.constant 0 : i32
    return %arg0, %c0_i32 : i32, i32
  }
  func.func @transform_4(%arg0: i32) -> (i32, i32) {
    %c0_i32 = arith.constant 0 : i32
    %c0_i32_0 = arith.constant 0 : i32
    return %arg0, %c0_i32 : i32, i32
  }
  func.func @transform_5(%arg0: i32) -> (i32, i32) {
    %c0_i32 = arith.constant 0 : i32
    %c0_i32_0 = arith.constant 0 : i32
    %c0_i32_1 = arith.constant 0 : i32
    return %c0_i32, %c0_i32_0 : i32, i32
  }
  func.func @transform_6(%arg0: i32) -> (i32, i32) {
    %c1_i32 = arith.constant 1 : i32
    %c0_i32 = arith.constant 0 : i32
    %c0_i32_0 = arith.constant 0 : i32
    return %c1_i32, %c0_i32 : i32, i32
  }
  func.func @transform_7(%arg0: i32) -> (i32, i32) {
    %c0_i32 = arith.constant 0 : i32
    %c0_i32_0 = arith.constant 0 : i32
    %c0_i32_1 = arith.constant 0 : i32
    return %c0_i32, %c0_i32_0 : i32, i32
  }
  func.func @transform_8(%arg0: i32) -> (i32, i32) {
    %c0_i32 = arith.constant 0 : i32
    %c0_i32_0 = arith.constant 0 : i32
    %c0_i32_1 = arith.constant 0 : i32
    return %c0_i32, %c0_i32_0 : i32, i32
  }
  func.func @transform_9(%arg0: i32) -> (i32, i32) {
    %c0_i32 = arith.constant 0 : i32
    %c0_i32_0 = arith.constant 0 : i32
    %c0_i32_1 = arith.constant 0 : i32
    return %c0_i32, %c0_i32_0 : i32, i32
  }
  func.func @transform_10(%arg0: i32) -> (i32, i32) {
    %c0_i32 = arith.constant 0 : i32
    %c0_i32_0 = arith.constant 0 : i32
    %c0_i32_1 = arith.constant 0 : i32
    return %c0_i32, %c0_i32_0 : i32, i32
  }
  func.func @transform_11(%arg0: i32) -> (i32, i32) {
    %c0_i32 = arith.constant 0 : i32
    %c0_i32_0 = arith.constant 0 : i32
    return %arg0, %c0_i32 : i32, i32
  }
}

</mosaic_0001>

<sc_bundles>
// kernel: kernel.6.cloned.1.call-start
scs
__scs_entry_jumppad:
0x0: {  	(pc) =	sbr.rel $0x88, $3  }
0x1: {  	(tag) =	ssettag $0x0;
	lr =	simm.s32 $0x1  }
0x2: {  	[smem:$0x3F95] =	sst lr;
	_ =	strace $0xD0000000  }
0x3: {  	_ = 	snop  }
0x4: {  	_ = 	snop  }
0x5: {  	_ = 	snop  }
0x6: {  	_ = 	snop  }
0x7: {  	_ = 	snop  }
__scs_overlays_trampoline_lowered:
0x8: {  	[smem:$0x3FA4] =	sst s0  }
0x9: {  	[smem:$0x3FA5] =	sst s1  }
0xa: {  	[smem:$0x3FA6] =	sst s2  }
0xb: {  	[smem:$0x3FA7] =	sst s3  }
0xc: {  	[smem:$0x3FA8] =	sst s4  }
0xd: {  	[smem:$0x3FA9] =	sst s5  }
0xe: {  	[smem:$0x3FAA] =	sst s6  }
0xf: {  	[smem:$0x3FAB] =	sst s7  }
0x10: {  	[smem:$0x3FAC] =	sst s8  }
0x11: {  	[smem:$0x3FAD] =	sst s9;
	s0 =	simm.s32 @!p0 $0x0  }
0x12: {  	s1 =	sld [smem:$0x3F93];
	s0 =	simm.s32 @p0 $0x1  }
0x13: {  	[smem:$0x3FAE] =	sst s0;
	s0 =	simm.s32 @!p1 $0x0  }
0x14: {  	s2 =	sld [smem:$0x3F92];
	s0 =	simm.s32 @p1 $0x1  }
0x15: {  	[smem:$0x3FAF] =	sst s0;
	s0 =	simm.s32 @!p2 $0x0  }
0x16: {  	s3 =	sld [smem:$0x3FDB];
	s0 =	simm.s32 @p2 $0x1  }
0x17: {  	s4 =	simm.s32 $0x1BF5;
	[smem:$0x3FB1] =	sst s0  }
0x18: {  	s0 =	sld [smem:$0x3F94];
	_ =	swait.ge [sflag:s4], $0x0  }
0x19: {  	s7 =	sld [smem:$0x3F95]  }
0x1a: {  	s8 =	sadd.s32 $0xFFFFE003, lr  }
0x1b: {  	s9 =	sadd.s32 $0xFFFFFEF7, lr;
	s5 =	simm.s32 $0xFFFFFFFF;
	p2 =	slt.u32 s8, $0xFFFFF086  }
0x1c: {  	p1 =	slt.u32 s9, $0xF7A;
	s5 =	simm.s32 @!p2 $0x0  }
0x1d: {  	s5 =	simm.s32 @p1 $0x1;
	p0 =	seq.s32 s7, s2  }
0x1e: {  	s7 =	smul.u32 @!p0 $0xF7A, s2;
	p2 =	seq.s32 @!p0 s5, $0x0  }
0x1f: {  	s9 =	smul.u32 $0xF7A, s1;
	s8 =	simm.s32 @!p0 $0x1BF5;
	p2 =	por !p2, p0  }
0x20: {  	[sflag:s8] =	ssyncset.s32 @!p0 $0xFFFFF086;
	s6 =	sadd.s32 @!p0 s3, s7;
	s7 =	simm.s32 @!p0 $0x108  }
0x21: {  	s3 =	sadd.s32 s3, s9;
	s6 =	sadd.s32 @!p0 $0x88, s6;
	s7 =	simm.s32 @p2 $0x1082  }
0x22: {  	[simem:s7], [sflag:s8] =	dma.local @!p0 [hbm:s6], $0xF7A  }
0x23: {  	s9 =	sor.u32 $0xD0000000, s2;
	s6 =	simm.s32 $0x108;
	_ =	swait.ge @!p0 [sflag:s8], $0x0  }
0x24: {  	s3 =	sadd.s32 $0x88, s3;
	s6 =	simm.s32 @!p1 $0x1082;
	[sflag:s4] =	ssyncset.s32 $0xFFFFF086  }
0x25: {  	[simem:s6], [sflag:s4] =	dma.local [hbm:s3], $0xF7A  }
0x26: {  	[smem:$0x3F95] =	sst s1;
	(tag) =	ssettag s2;
	_ =	strace s9  }
0x27: {  	s1 =	sld [smem:$0x3FA5]  }
0x28: {  	s2 =	sld [smem:$0x3FA6]  }
0x29: {  	s4 =	sld [smem:$0x3FA8]  }
0x2a: {  	p0 =	seq.s32 s5, $0x0;
	s5 =	sld [smem:$0x3FA9]  }
0x2b: {  	s6 =	sld [smem:$0x3FAA]  }
0x2c: {  	s7 =	sld [smem:$0x3FAB]  }
0x2d: {  	s3 =	simm.s32 $0x108;
	s8 =	sld [smem:$0x3FAC]  }
0x2e: {  	s3 =	simm.s32 @!p0 $0x1082;
	s9 =	sld [smem:$0x3FAD]  }
0x2f: {  	lr =	sadd.s32 s0, s3;
	s0 =	sld [smem:$0x3FA4]  }
0x30: {  	s3 =	sld [smem:$0x3FA7]  }
0x31: {  	[smem:$0x3FB0] =	sst s10  }
0x32: {  	s10 =	sld [smem:$0x3FAE];
	_ =	sdelay $0x3  }
0x33: {  	p0 =	seq.s32 s10, $0x1;
	s10 =	sld [smem:$0x3FB0];
	_ =	sdelay $0x3  }
0x34: {  	[smem:$0x3FB0] =	sst s10  }
0x35: {  	s10 =	sld [smem:$0x3FAF];
	_ =	sdelay $0x3  }
0x36: {  	p1 =	seq.s32 s10, $0x1;
	s10 =	sld [smem:$0x3FB0];
	_ =	sdelay $0x3  }
0x37: {  	[smem:$0x3FB0] =	sst s10  }
0x38: {  	s10 =	sld [smem:$0x3FB1]  }
0x39: {  	_ = 	snop;
	(pc) =	sbr.ind lr, $3  }
0x3a: {  	_ = 	snop  }
0x3b: {  	_ = 	snop  }
0x3c: {  	p2 =	seq.s32 s10, $0x1;
	s10 =	sld [smem:$0x3FB0]  }
0x3d: {  	_ =	shalt  }
0x3e: {  	_ =	shalt  }
0x3f: {  	_ =	shalt  }
0x40: {  	_ =	shalt  }
0x41: {  	_ =	shalt  }
0x42: {  	_ =	shalt  }
0x43: {  	_ =	shalt  }
0x44: {  	_ =	shalt  }
0x45: {  	_ =	shalt  }
0x46: {  	_ =	shalt  }
0x47: {  	_ =	shalt  }
0x48: {  	_ =	shalt  }
0x49: {  	_ =	shalt  }
0x4a: {  	_ =	shalt  }
0x4b: {  	_ =	shalt  }
0x4c: {  	_ =	shalt  }
0x4d: {  	_ =	shalt  }
0x4e: {  	_ =	shalt  }
0x4f: {  	_ =	shalt  }
0x50: {  	_ =	shalt  }
0x51: {  	_ =	shalt  }
0x52: {  	_ =	shalt  }
0x53: {  	_ =	shalt  }
0x54: {  	_ =	shalt  }
0x55: {  	_ =	shalt  }
0x56: {  	_ =	shalt  }
0x57: {  	_ =	shalt  }
0x58: {  	_ =	shalt  }
0x59: {  	_ =	shalt  }
0x5a: {  	_ =	shalt  }
0x5b: {  	_ =	shalt  }
0x5c: {  	_ =	shalt  }
0x5d: {  	_ =	shalt  }
0x5e: {  	_ =	shalt  }
0x5f: {  	_ =	shalt  }
0x60: {  	_ =	shalt  }
0x61: {  	_ =	shalt  }
0x62: {  	_ =	shalt  }
0x63: {  	_ =	shalt  }
0x64: {  	_ =	shalt  }
0x65: {  	_ =	shalt  }
0x66: {  	_ =	shalt  }
0x67: {  	_ =	shalt  }
0x68: {  	_ =	shalt  }
0x69: {  	_ =	shalt  }
0x6a: {  	_ =	shalt  }
0x6b: {  	_ =	shalt  }
0x6c: {  	_ =	shalt  }
0x6d: {  	_ =	shalt  }
0x6e: {  	_ =	shalt  }
0x6f: {  	_ =	shalt  }
0x70: {  	_ =	shalt  }
0x71: {  	_ =	shalt  }
0x72: {  	_ =	shalt  }
0x73: {  	_ =	shalt  }
0x74: {  	_ =	shalt  }
0x75: {  	_ =	shalt  }
0x76: {  	_ =	shalt  }
0x77: {  	_ =	shalt  }
0x78: {  	_ =	shalt  }
0x79: {  	_ =	shalt  }
0x7a: {  	_ =	shalt  }
0x7b: {  	_ =	shalt  }
0x7c: {  	_ =	shalt  }
0x7d: {  	_ =	shalt  }
0x7e: {  	_ =	shalt  }
0x7f: {  	_ =	shalt  }
0x80: {  	_ =	shalt  }
0x81: {  	_ =	shalt  }
0x82: {  	_ =	shalt  }
0x83: {  	_ =	shalt  }
0x84: {  	_ =	shalt  }
0x85: {  	_ =	shalt  }
0x86: {  	_ =	shalt  }
0x87: {  	_ =	shalt  }
.Lfunc_end0:
.L_simem_size_0:
called_computation_lowered:
.L_overlay_start_0:
0x88: {  	s2 =	sld [smem:$0x3FD9]  }
0x89: {  	s3 =	sld [smem:$0x3FFE];
	_ =	sdelay $0x1  }
0x8a: {  	s1 =	srdreg.scid  }
0x8b: {  	s0 =	sand.u32 $0x1, s1  }
0x8c: {  	s17 =	sshll.u32 s0, $0xA;
	s2 =	sadd.s32 s3, s2  }
0x8d: {  	s2 =	sadd.s32 s2, s17  }
0x8e: {  	[smem:$0x3FBC] =	sst s2  }
0x8f: {  	_ = 	snop  }
0x90: {  	s2 =	sld [smem:$0x3FC9]  }
0x91: {  	s18 =	sld [smem:$0x3FD0];
	(tm) =	ssettm $0x1  }
0x92: {  	s4 =	sld [smem:$0x3FFB];
	_ =	sdelay $0x3  }
0x93: {  	_ =	strace s4  }
0x94: {  	s4 =	sld [smem:$0x3FFC];
	_ =	sdelay $0x3  }
0x95: {  	_ =	strace s4  }
0x96: {  	s4 =	sld [smem:$0x3FFD];
	_ =	sdelay $0x3  }
0x97: {  	_ =	strace s4  }
0x98: {  	_ =	strace $0x8FFFFFFF  }
0x99: {  	s19 =	sld [smem:$0x3FDB];
	_ =	sdelay $0x1  }
0x9a: {  	s5 =	simm.s32 $_scs_section_size  }
0x9b: {  	s6 =	simm.s32 $_size__tile_overlayer_lowered;
	s7 =	simm.s32 $_tile_overlayer_lowered  }
0x9c: {  	s22 =	simm.s32 $0x1BFF;
	s21 =	sshll.u32 s7, $0x1;
	s4 =	sadd.s32 s5, s19  }
0x9d: {  	s8 =	simm.s32 $0x0;
	s20 =	sshll.u32 s6, $0x1;
	s6 =	sadd.s32 s21, s4  }
0x9e: {  	[timem:s8], [sflag:s22] =	dma.local [hbm:s6], s20  }
0x9f: {  	_ =	swait.ge [sflag:s22], s20  }
0xa0: {  	s5 =	ssub.s32 $0x0, s20;
	[sflag:s22] =	ssyncset.done $0x0  }
0xa1: {  	[sflag:s22] =	ssyncadd.s32 s5;
	_ =	sdelay $0x1  }
0xa2: {  	s23 =	simm.s32 $0x1B8B  }
0xa3: {  	_ =	swait.ge [sflag:s23], $0x1  }
0xa4: {  	[sflag:s23] =	ssyncset.done $0x0  }
0xa5: {  	s25 =	simm.s32 $0x1B8E;
	s24 =	sld [smem:$0x3FFE];
	[sflag:s23] =	ssyncadd.s32 $0xFFFFFFFF  }
0xa6: {  	s26 =	simm.s32 $execute0_lowered;
	[smem:$0x3FD2] =	sst s25  }
0xa7: {  	s6 =	sshll.u32 s26, $0x1;
	_ =	strace $0x80000046;
	[dreg:$0x1] =	wrdreg $0xFFFFFFFF  }
0xa8: {  	s28 =	simm.s32 $_size_execute0_lowered;
	s4 =	sadd.s32 s4, s6;
	[dreg:$0x0] =	wrdreg $0x0  }
0xa9: {  	s6 =	sshll.u32 s28, $0x1;
	[dreg:$0x2] =	wrdreg s4  }
0xaa: {  	[dreg:$0x3] =	wrdreg s6  }
0xab: {  	[dreg:$0x4] =	wrdreg $0xC0  }
0xac: {  	_ =	task [dreg:s8], $0x5FFFF  }
0xad: {  	[dreg:$0x1] =	wrdreg $0xFFFFFFFF  }
0xae: {  	[dreg:$0x0] =	wrdreg $0x60  }
0xaf: {  	[dreg:$0x2] =	wrdreg s2  }
0xb0: {  	[dreg:$0x3] =	wrdreg s24  }
0xb1: {  	[dreg:$0x4] =	wrdreg s18  }
0xb2: {  	[dreg:$0x5] =	wrdreg $0x87000  }
0xb3: {  	[dreg:$0x6] =	wrdreg $0x127000  }
0xb4: {  	[dreg:$0x7] =	wrdreg $0x1C7000  }
0xb5: {  	[dreg:$0x8] =	wrdreg $0x9  }
0xb6: {  	_ =	task.clear_ibuf [dreg:s8], $0x9FFFF;
	_ =	strace $0x90000046  }
0xb7: {  	s29 =	simm.s32 $0x9;
	_ =	strace $0x80000048  }
0xb8: {  	_ =	swait.ge [sflag:s29], $0x1  }
0xb9: {  	[sflag:s29] =	ssyncadd.s32 $0xFFFFFFFF  }
0xba: {  	_ =	strace $0x90000048  }
0xbb: {  	_ =	sfence  }
0xbc: {  	s30 =	sld [smem:$0x0];
	_ =	sdelay $0x2  }
0xbd: {  	s31 =	sshll.u32 s1, $0xD;
	s1 =	sshrl.u32 s1, $0x2  }
0xbe: {  	s3 =	sand.u32 $0x4000, s31;
	s1 =	sadd.s32 s1, s30  }
0xbf: {  	s0 =	sor.u32 s3, s0;
	s1 =	sshll.u32 s1, $0x11  }
0xc0: {  	s0 =	sor.u32 s1, s0  }
0xc1: {  	s0 =	sadd.s32 $0x8F2B, s0  }
0xc2: {  	[sflag:s0] =	ssyncadd.remote.s32 $0x1  }
0xc3: {  	_ =	sfence.sel $0xFFFF  }
0xc4: {  	[dreg:$0x0] =	wrdreg $0xFFFFFFFF;
	(pc) =	sbr.abs _section_cstart, $3  }
0xc5: {  	[dreg:$0x1] =	wrdreg $0xFFFFFFFF  }
0xc6: {  	_ =	task.clear_ibuf [dreg:s8], $0x2FFFF;
	_ =	strace $0x9FFFFFFF  }
0xc7: {  	(tm) =	ssettm $0x7FFFFFFF  }
tec
execute0_lowered:
.L_overlay_start_1:
0x0: {  	(tag) =	ssettag $0x1  }
0x1: {  	s0 =	rddreg [dreg:$0x0]  }
0x2: {  	s5 =	rddreg [dreg:$0x1]  }
0x3: {  	s6 =	rddreg [dreg:$0x2]  }
0x4: {  	s1 =	rddreg [dreg:$0x3]  }
0x5: {  	s2 =	rddreg [dreg:$0x4]  }
0x6: {  	s3 =	rddreg [dreg:$0x5];
	s4 =	simm.s32 $0x0;
	s26 =	stileid.u32  }
0x7: {  	s10 =	srdreg.scid;
	s30 =	simm.s32 $0x400;
	s13 =	smul.u32 $0x14000, s26  }
0x8: {  	s31 =	simm.s32 $0x9;
	[smem:$0x7FF] =	sst s4;
	s16 =	smul.u32 $0x28000, s26  }
0x9: {  	s7 =	sadd.s32 $0xDE00, s5;
	s8 =	sadd.s32 $0x3E00, s5;
	s21 =	smul.u32 $0x5000, s26  }
0xa: {  	s9 =	sadd.s32 $0x17E00, s5;
	s11 =	sadd.s32 $0x2BE00, s5;
	s23 =	smul.u32 $0xA000, s26  }
0xb: {  	s10 =	sand.u32 $0x1, s10;
	s5 =	sadd.s32 $0x2C400, s5;
	s20 =	smul.u32 $0xA00, s26  }
0xc: {  	p1 =	seq.s32 s26, $0xF;
	_ =	strace $0x80000047;
	s12 =	ssub.s32 $0x2, s10  }
0xd: {  	s15 =	sshll.u32 s10, $0x6;
	s22 =	sshll.u32 s10, $0x3;
	p0 =	seq.s32 s10, $0x1  }
0xe: {  	s14 =	sshrl.u32 s12, $0x1;
	s13 =	sor.u32 s15, s13;
	s15 =	smul.u32 $0x280, s26  }
0xf: {  	s16 =	sshrl.u32 s16, $0x2;
	s6 =	smov.u32 @p0 s9;
	s11 =	smov.u32 @p0 s5  }
0x10: {  	s9 =	sadd.s32 s23, s2;
	p0 =	seq.s32 s10, $0x0;
	s12 =	ssub.s32 s12, s14  }
0x11: {  	s13 =	sshrl.u32 s13, $0x3;
	s14 =	sshrl.u32 s21, $0x3;
	s5 =	sadd.s32 s16, s1  }
0x12: {  	[dreg:$0x13] =	wrdreg s9;
	s13 =	sadd.s32 s0, s13;
	s0 =	sadd.s32 s22, s0  }
0x13: {  	s17 =	sor.u32 $0x10, s14;
	s18 =	sadd.s32 s7, s14;
	[dreg:$0x7] =	wrdreg s13  }
0x14: {  	s24 =	sadd.s32 s8, s14;
	s28 =	sor.u32 $0x20, s14;
	[dreg:$0x8] =	wrdreg s18  }
0x15: {  	s14 =	sor.u32 $0x30, s14;
	s10 =	sadd.s32 s15, s3;
	[dreg:$0x9] =	wrdreg s24  }
0x16: {  	s19 =	sshrl.u32 s15, $0x3;
	s25 =	sadd.s32 s7, s17;
	[dreg:$0x18] =	wrdreg s10  }
0x17: {  	s15 =	simm.s32 $0x4400;
	s17 =	sadd.s32 s8, s17;
	[dreg:$0xa] =	wrdreg s25  }
0x18: {  	s29 =	sadd.s32 s7, s28;
	s18 =	sshrl.u32 s23, $0x3;
	[dreg:$0xb] =	wrdreg s17  }
0x19: {  	s21 =	sadd.s32 s7, s14;
	s22 =	sadd.s32 s8, s14;
	[dreg:$0xc] =	wrdreg s29  }
0x1a: {  	s0 =	sadd.s32 $0x25800, s0;
	s23 =	sadd.s32 s16, s2;
	[dreg:$0x10] =	wrdreg s21  }
0x1b: {  	s13 =	simm.s32 $0x2;
	s14 =	simm.s32 $0x3;
	[dreg:$0x11] =	wrdreg s22  }
0x1c: {  	s16 =	simm.s32 $0x4;
	s17 =	sadd.s32 s8, s28;
	[dreg:$0x12] =	wrdreg s0  }
0x1d: {  	s6 =	sadd.s32 s6, s18;
	s18 =	sadd.s32 s20, s7;
	[dreg:$0xd] =	wrdreg s17  }
0x1e: {  	s24 =	sadd.s32 $0x2000, s23;
	s25 =	sadd.s32 $0x4000, s23;
	[dreg:$0xe] =	wrdreg s6  }
0x1f: {  	s28 =	sadd.s32 $0x6000, s23;
	s0 =	sadd.s32 $0x8000, s23;
	[dreg:$0x14] =	wrdreg s24  }
0x20: {  	s29 =	smax.u32 s12, $0x1;
	s12 =	simm.s32 $0x1;
	[dreg:$0x15] =	wrdreg s25  }
0x21: {  	s21 =	simm.s32 $0x5;
	s22 =	simm.s32 $0x6;
	[dreg:$0x16] =	wrdreg s28  }
0x22: {  	s23 =	simm.s32 $0x7;
	s6 =	sadd.s32 s11, s19;
	[dreg:$0x17] =	wrdreg s0  }
.Ltmp0:
0x23: {  	s17 =	sadd.s32 s20, s8;
	[dreg:$0x19] =	wrdreg s29;
	(pc) =	sbr.rel .LBB2_1-.Ltmp0, $4  }
0x24: {  	s0 =	sadd.s32 $0x96000, s1;
	s8 =	simm.s32 $0x180;
	s19 =	simm.s32 $0x6400  }
0x25: {  	s24 =	simm.s32 $0x8;
	[dreg:$0xf] =	wrdreg s6;
	s0 =	sshrl.u32 @p1 s0, $0x3  }
0x26: {  	s11 =	simm.s32 $0x180;
	[dreg:$0x1a] =	wrdreg s0;
	s0 =	sshrl.u32 @!p1 s5, $0x3  }
0x27: {  	v0 =	vimm.f32 $0.0e+00;
	v1 =	vimm.f32 $1.000000000e+00;
	s6 =	simm.s32 $0x80;
	s5 =	simm.s32 $0x0;
	[dreg:$0x1b] =	wrdreg s0  }
.LBB2_6:
0x28: {  	s26 =	stileid.u32;
	[bflag:$0x0] =	sbarrier.arrive $0xFFFF  }
0x29: {  	s0 =	sshll.u32 s26, $0x6;
	s9 =	rddreg [dreg:$0x13]  }
0x2a: {  	s8 =	rddreg [dreg:$0xe];
	s0 =	sor.u32 $0x1C09, s0;
	s7 =	sshrl.u32 s9, $0x3  }
0x2b: {  	[hbm:s8], [sflag:s0] =	dma.local [spmem:s7], $0x1400  }
0x2c: {  	_ =	swait.ge [sflag:s31], $0x1400  }
0x2d: {  	[sflag:s31] =	ssyncset.done $0x0;
	s10 =	rddreg [dreg:$0x18]  }
0x2e: {  	s28 =	rddreg [dreg:$0xf];
	[sflag:s31] =	ssyncadd.s32 $0xFFFFEC00;
	s25 =	sshrl.u32 s10, $0x3  }
0x2f: {  	[hbm:s28], [sflag:s0] =	dma.local [spmem:s25], $0x50  }
0x30: {  	_ =	swait.ge [sflag:s31], $0x50  }
0x31: {  	s5 =	rddreg [dreg:$0x1c]  }
0x32: {  	s29 =	rddreg [dreg:$0x19];
	s5 =	sadd.s32 $0x1, s5  }
0x33: {  	p2 =	sne.s32 s5, s29  }
.Ltmp1:
0x34: {  	_ = 	snop;
	(pc) =	sbr.rel @!p2 .LBB2_7-.Ltmp1, $3  }
0x35: {  	_ =	sdelay $0x1  }
0x36: {  	[sflag:s31] =	ssyncset.done $0x0  }
0x37: {  	s8 =	simm.s32 $0x180;
	[sflag:s31] =	ssyncadd.s32 $0xFFFFFFB0  }
.LBB2_1:
0x38: {  	[dreg:$0x1c] =	wrdreg s5  }
0x39: {  	s28 =	simm.s32 @p1 $0x1;
	s29 =	simm.s32 @p1 $0x8;
	s0 =	rddreg [dreg:$0x12]  }
0x3a: {  	s20 =	simm.s32 @p1 $0x10;
	s25 =	simm.s32 @p1 $0x1FC9;
	s7 =	rddreg [dreg:$0x1a]  }
0x3b: {  	[spmem:s7@s29], [sflag:s25] =	dma.strided @p1 [hbm:s0@s20], $0xC80, s28, $0x8   }
0x3c: {  	s20 =	simm.s32 @p1 $0x9  }
0x3d: {  	_ =	swait.ge @p1 [sflag:s20], $0xC80  }
0x3e: {  	s25 =	sshll.u32 @!p1 s26, $0x6;
	s28 =	simm.s32 @!p1 $0x8;
	s0 =	rddreg [dreg:$0x7]  }
0x3f: {  	s29 =	simm.s32 @!p1 $0x10;
	[sflag:s20] =	ssyncset.done @p1 $0x0;
	s7 =	rddreg [dreg:$0x1b]  }
0x40: {  	[sflag:s20] =	ssyncadd.s32 @p1 $0xFFFFF380;
	s20 =	sor.u32 @!p1 $0x1C09, s25;
	s25 =	simm.s32 @!p1 $0x1  }
0x41: {  	[spmem:s7@s28], [sflag:s20] =	dma.strided @!p1 [hbm:s0@s29], $0x1400, s25, $0x8   }
0x42: {  	s20 =	simm.s32 @!p1 $0x9  }
0x43: {  	_ =	swait.ge @!p1 [sflag:s20], $0x1400  }
0x44: {  	[sflag:s20] =	ssyncset.done @!p1 $0x0  }
0x45: {  	s29 =	simm.s32 $0x100;
	s28 =	simm.s32 $0x0;
	[sflag:s20] =	ssyncadd.s32 @!p1 $0xFFFFEC00  }
.LBB2_2:
0x46: {  	p2 =	sne.s32 s29, $0x7F00;
	[tilespmem:s28+$0x430] =	vst v0;
	s20 =	smov.u32 s29;
	s29 =	sadd.s32 $0x100, s29  }
.Ltmp2:
0x47: {  	[tilespmem:s28+$0x420] =	vst v0;
	(pc) =	sbr.rel @p2 .LBB2_2-.Ltmp2, $3  }
0x48: {  	[tilespmem:s28+$0x400] =	vst v0  }
0x49: {  	[tilespmem:s28+$0x410] =	vst v0;
	_ =	sdelay $0x1  }
0x4a: {  	s28 =	sshra.s32 s20, $0x2  }
0x4b: {  	[tilespmem:s28+$0x430] =	vst v0  }
0x4c: {  	[tilespmem:s28+$0x420] =	vst v0  }
0x4d: {  	[tilespmem:s28+$0x400] =	vst v0  }
0x4e: {  	[tilespmem:s28+$0x410] =	vst v0  }
0x4f: {  	[tilespmem:$0x8480] =	vst v0  }
0x50: {  	[tilespmem:$0x8490] =	vst v0  }
0x51: {  	[tilespmem:$0x84A0] =	vst v0  }
0x52: {  	[tilespmem:$0x84B0] =	vst v0  }
0x53: {  	[tilespmem:$0x84C0] =	vst v0  }
0x54: {  	[tilespmem:$0x84D0] =	vst v0  }
0x55: {  	[tilespmem:$0x84E0] =	vst v0  }
0x56: {  	[tilespmem:$0x84F0] =	vst v0  }
0x57: {  	[tilespmem:$0x8500] =	vst v0  }
0x58: {  	[tilespmem:$0x8510] =	vst v0  }
0x59: {  	[tilespmem:$0x8520] =	vst v0  }
0x5a: {  	[tilespmem:$0x8530] =	vst v0  }
0x5b: {  	[tilespmem:$0x8540] =	vst v0  }
0x5c: {  	[tilespmem:$0x8550] =	vst v0  }
0x5d: {  	[tilespmem:$0x8560] =	vst v0  }
0x5e: {  	[tilespmem:$0x8570] =	vst v0  }
0x5f: {  	[tilespmem:$0x8580] =	vst v0  }
0x60: {  	[tilespmem:$0x8590] =	vst v0  }
0x61: {  	[tilespmem:$0x85A0] =	vst v0  }
0x62: {  	[tilespmem:$0x85B0] =	vst v0  }
0x63: {  	[tilespmem:$0x85C0] =	vst v0  }
0x64: {  	[tilespmem:$0x85D0] =	vst v0  }
0x65: {  	[tilespmem:$0x85E0] =	vst v0  }
0x66: {  	[tilespmem:$0x85F0] =	vst v0  }
0x67: {  	[tilespmem:$0x8600] =	vst v0  }
0x68: {  	[tilespmem:$0x8610] =	vst v0  }
0x69: {  	[tilespmem:$0x8620] =	vst v0  }
0x6a: {  	[tilespmem:$0x8630] =	vst v0  }
0x6b: {  	[tilespmem:$0x8640] =	vst v0  }
0x6c: {  	[tilespmem:$0x8650] =	vst v0  }
0x6d: {  	[tilespmem:$0x8660] =	vst v0  }
0x6e: {  	[tilespmem:$0x8670] =	vst v0  }
0x6f: {  	[tilespmem:$0x8680] =	vst v0  }
0x70: {  	[tilespmem:$0x8690] =	vst v0  }
0x71: {  	[tilespmem:$0x86A0] =	vst v0  }
0x72: {  	[tilespmem:$0x86B0] =	vst v0  }
0x73: {  	[tilespmem:$0x86C0] =	vst v0  }
0x74: {  	[tilespmem:$0x86D0] =	vst v0  }
0x75: {  	[tilespmem:$0x86E0] =	vst v0  }
0x76: {  	[tilespmem:$0x86F0] =	vst v0  }
0x77: {  	[tilespmem:$0x8400] =	vst v1  }
0x78: {  	[tilespmem:$0x8410] =	vst v1  }
0x79: {  	[tilespmem:$0x8420] =	vst v1  }
0x7a: {  	[tilespmem:$0x8430] =	vst v1  }
0x7b: {  	[tilespmem:$0x8440] =	vst v1  }
0x7c: {  	[tilespmem:$0x8450] =	vst v1  }
0x7d: {  	[tilespmem:$0x8460] =	vst v1  }
0x7e: {  	[tilespmem:$0x8470] =	vst v1  }
0x7f: {  	[spmem:s9] =	stream.linear.scatter [tilespmem:s30], [sflag:$0x9], $0x2000, $0x38;
	[tilespmem:$0x1C980] =	vst v63  }
0x80: {  	_ =	swait.ge [sflag:s31], $0x2000  }
0x81: {  	[sflag:s31] =	ssyncset.done $0x0  }
0x82: {  	s0 =	rddreg [dreg:$0x14];
	[sflag:s31] =	ssyncadd.s32 $0xFFFFE000  }
0x83: {  	[spmem:s0] =	stream.linear.scatter [tilespmem:s30], [sflag:$0x9], $0x2000, $0x38;
	[tilespmem:$0x1C980] =	vst v63  }
0x84: {  	_ =	swait.ge [sflag:s31], $0x2000  }
0x85: {  	[sflag:s31] =	ssyncset.done $0x0  }
0x86: {  	s26 =	rddreg [dreg:$0x15];
	[sflag:s31] =	ssyncadd.s32 $0xFFFFE000  }
0x87: {  	[spmem:s26] =	stream.linear.scatter [tilespmem:s30], [sflag:$0x9], $0x2000, $0x38;
	[tilespmem:$0x1C980] =	vst v63  }
0x88: {  	_ =	swait.ge [sflag:s31], $0x2000  }
0x89: {  	[sflag:s31] =	ssyncset.done $0x0  }
0x8a: {  	s5 =	rddreg [dreg:$0x16];
	[sflag:s31] =	ssyncadd.s32 $0xFFFFE000  }
0x8b: {  	[spmem:s5] =	stream.linear.scatter [tilespmem:s30], [sflag:$0x9], $0x2000, $0x38;
	[tilespmem:$0x1C980] =	vst v63  }
0x8c: {  	_ =	swait.ge [sflag:s31], $0x2000  }
0x8d: {  	[sflag:s31] =	ssyncset.done $0x0  }
0x8e: {  	s7 =	rddreg [dreg:$0x17];
	[sflag:s31] =	ssyncadd.s32 $0xFFFFE000  }
0x8f: {  	[spmem:s7] =	stream.linear.scatter [tilespmem:s30], [sflag:$0x9], $0x2000, $0x38;
	[tilespmem:$0x1C980] =	vst v63  }
0x90: {  	_ =	swait.ge [sflag:s31], $0x2000  }
0x91: {  	[sflag:s31] =	ssyncset.done $0x0  }
0x92: {  	s9 =	simm.s32 $0x8480;
	[sflag:s31] =	ssyncadd.s32 $0xFFFFE000  }
0x93: {  	[spmem:s10] =	stream.linear.scatter [tilespmem:s9], [sflag:$0x9], $0x280, $0x38;
	[tilespmem:$0x1C980] =	vst v63  }
0x94: {  	_ =	swait.ge [sflag:s31], $0x280  }
0x95: {  	[sflag:s31] =	ssyncset.done $0x0  }
0x96: {  	[sflag:s31] =	ssyncadd.s32 $0xFFFFFD80  }
0x97: {  	[bflag:$0x0] =	sbarrier.arrive $0xFFFF  }
0x98: {  	s28 =	simm.s32 $0x0;
	s10 =	rddreg [dreg:$0x8]  }
0x99: {  	[tilespmem:s28], [sflag:$0x1] =	stream.linear.gather [hbm4b:s10+s28], $0x80, $0x38;
	[tilespmem:$0x1C980] =	vst v63  }
0x9a: {  	s7 =	simm.s32 $0x200;
	s20 =	rddreg [dreg:$0x9]  }
0x9b: {  	[tilespmem:s7], [sflag:$0x1] =	stream.linear.gather [hbm4b:s20+s28], $0x80, $0x38;
	[tilespmem:$0x1C980] =	vst v63  }
0x9c: {  	s25 =	rddreg [dreg:$0xa]  }
0x9d: {  	[tilespmem:s6], [sflag:$0x2] =	stream.linear.gather [hbm4b:s25+s28], $0x80, $0x38;
	[tilespmem:$0x1C980] =	vst v63  }
0x9e: {  	s5 =	simm.s32 $0x280;
	s26 =	rddreg [dreg:$0xb]  }
0x9f: {  	[tilespmem:s5], [sflag:$0x2] =	stream.linear.gather [hbm4b:s26+s28], $0x80, $0x38;
	[tilespmem:$0x1C980] =	vst v63  }
0xa0: {  	s9 =	simm.s32 $0x100;
	s7 =	rddreg [dreg:$0xc]  }
0xa1: {  	[tilespmem:s9], [sflag:$0x3] =	stream.linear.gather [hbm4b:s7+s28], $0x80, $0x38;
	[tilespmem:$0x1C980] =	vst v63  }
0xa2: {  	s10 =	rddreg [dreg:$0xd];
	s20 =	simm.s32 $0x300  }
0xa3: {  	[tilespmem:s20], [sflag:$0x3] =	stream.linear.gather [hbm4b:s10+s28], $0x80, $0x38;
	[tilespmem:$0x1C980] =	vst v63  }
0xa4: {  	s25 =	rddreg [dreg:$0x10]  }
0xa5: {  	[tilespmem:s8], [sflag:$0x4] =	stream.linear.gather [hbm4b:s25+s28], $0x80, $0x38;
	[tilespmem:$0x1C980] =	vst v63  }
0xa6: {  	s29 =	simm.s32 $0x0;
	s26 =	rddreg [dreg:$0x11];
	s5 =	simm.s32 $0x380  }
0xa7: {  	[tilespmem:s5], [sflag:$0x4] =	stream.linear.gather [hbm4b:s26+s28], $0x80, $0x38;
	[tilespmem:$0x1C980] =	vst v63  }
.LBB2_4:
0xa8: {  	_ =	swait.ge [sflag:s12], $0x80  }
0xa9: {  	[sflag:s12] =	ssyncset.done $0x0  }
0xaa: {  	[sflag:s12] =	ssyncadd.s32 $0xFFFFFF80  }
0xab: {  	_ =	swait.ge [sflag:s12], $0x80  }
0xac: {  	[sflag:s12] =	ssyncset.done $0x0  }
0xad: {  	[sflag:s12] =	ssyncadd.s32 $0xFFFFFF80  }
0xae: {  	[tilespmem:s30], [sflag:$0x5] =	stream.indirect.gather [spmem:s1], $0x40, s4, s6, $0xb8;
	[tilespmem:$0x1C980] =	vst v63  }
0xaf: {  	_ =	swait.ge [sflag:s13], $0x80  }
0xb0: {  	[sflag:s13] =	ssyncset.done $0x0  }
0xb1: {  	[sflag:s13] =	ssyncadd.s32 $0xFFFFFF80  }
0xb2: {  	_ =	swait.ge [sflag:s13], $0x80  }
0xb3: {  	[sflag:s13] =	ssyncset.done $0x0  }
0xb4: {  	s9 =	simm.s32 $0x2400;
	[sflag:s13] =	ssyncadd.s32 $0xFFFFFF80  }
0xb5: {  	[tilespmem:s9], [sflag:$0x6] =	stream.indirect.gather [spmem:s1], $0x40, s6, s6, $0xb8;
	[tilespmem:$0x1C980] =	vst v63  }
0xb6: {  	_ =	swait.ge [sflag:s14], $0x80  }
0xb7: {  	[sflag:s14] =	ssyncset.done $0x0  }
0xb8: {  	[sflag:s14] =	ssyncadd.s32 $0xFFFFFF80  }
0xb9: {  	_ =	swait.ge [sflag:s14], $0x80  }
0xba: {  	[sflag:s14] =	ssyncset.done $0x0  }
0xbb: {  	s0 =	simm.s32 $0x100;
	[sflag:s14] =	ssyncadd.s32 $0xFFFFFF80  }
0xbc: {  	[tilespmem:s15], [sflag:$0x7] =	stream.indirect.gather [spmem:s1], $0x40, s0, s6, $0xb8;
	[tilespmem:$0x1C980] =	vst v63  }
0xbd: {  	_ =	swait.ge [sflag:s16], $0x80  }
0xbe: {  	[sflag:s16] =	ssyncset.done $0x0  }
0xbf: {  	[sflag:s16] =	ssyncadd.s32 $0xFFFFFF80  }
0xc0: {  	_ =	swait.ge [sflag:s16], $0x80  }
0xc1: {  	[sflag:s16] =	ssyncset.done $0x0  }
0xc2: {  	[sflag:s16] =	ssyncadd.s32 $0xFFFFFF80  }
0xc3: {  	[tilespmem:s19], [sflag:$0x8] =	stream.indirect.gather [spmem:s1], $0x40, s8, s6, $0xb8;
	[tilespmem:$0x1C980] =	vst v63  }
0xc4: {  	s7 =	simm.s32 $0x200;
	p4 =	sgt.u32 s29, $0x13;
	_ =	swait.ge [sflag:s21], $0x2000  }
0xc5: {  	s20 =	simm.s32 $0x1;
	s25 =	simm.s32 $0x1;
	[sflag:s21] =	ssyncset.done $0x0  }
0xc6: {  	s20 =	simm.s32 @!p4 $0x0;
	s25 =	simm.s32 @!p0 $0x0;
	[sflag:s21] =	ssyncadd.s32 $0xFFFFE000  }
0xc7: {  	[spmem:s2] =	stream.indirect.scatter.add.f32 [tilespmem:s30], [sflag:$0x9], $0x40, s7, s6, $0xb8;
	[tilespmem:$0x1C980] =	vst v63  }
0xc8: {  	p3 =	seq.s32 s25, s20;
	_ =	swait.ge [sflag:s31], $0x2000  }
0xc9: {  	s20 =	simm.s32 @!p3 $0x80;
	[sflag:s31] =	ssyncset.done $0x0  }
0xca: {  	s25 =	simm.s32 @!p3 $0x200;
	s26 =	simm.s32 @!p3 $0x8400;
	[sflag:s31] =	ssyncadd.s32 $0xFFFFE000  }
0xcb: {  	[spmem:s3] =	stream.indirect.scatter.add.f32 @!p3 [tilespmem:s26], [sflag:$0x9], $0x1, s25, s20, $0xb8;
	[tilespmem:$0x1C980] =	vst v63  }
0xcc: {  	s20 =	simm.s32 @!p3 $0x9  }
0xcd: {  	p2 =	seq.s32 s28, $0x9C0;
	_ =	swait.ge @!p3 [sflag:s20], $0x80  }
0xce: {  	s25 =	sadd.s32 @!p2 s28, s18;
	[sflag:s20] =	ssyncset.done @!p3 $0x0  }
0xcf: {  	s26 =	simm.s32 @!p2 $0x0;
	[sflag:s20] =	ssyncadd.s32 @!p3 $0xFFFFFF80;
	s20 =	sadd.s32 @!p2 $0x40, s25  }
0xd0: {  	[tilespmem:s26], [sflag:$0x1] =	stream.linear.gather @!p2 [hbm4b:s20+s26], $0x80, $0x38;
	[tilespmem:$0x1C980] =	vst v63  }
0xd1: {  	s20 =	sadd.s32 @!p2 s28, s17  }
0xd2: {  	s7 =	simm.s32 @!p2 $0x200;
	s0 =	sadd.s32 @!p2 $0x40, s20  }
0xd3: {  	[tilespmem:s7], [sflag:$0x1] =	stream.linear.gather @!p2 [hbm4b:s0+s26], $0x80, $0x38;
	[tilespmem:$0x1C980] =	vst v63  }
0xd4: {  	_ =	swait.ge [sflag:s22], $0x2000  }
0xd5: {  	[sflag:s22] =	ssyncset.done $0x0  }
0xd6: {  	s8 =	simm.s32 $0x280;
	p3 =	por !p4, !p4;
	[sflag:s22] =	ssyncadd.s32 $0xFFFFE000  }
0xd7: {  	[spmem:s2] =	stream.indirect.scatter.add.f32 [tilespmem:s9], [sflag:$0x9], $0x40, s8, s6, $0xb8;
	[tilespmem:$0x1C980] =	vst v63  }
0xd8: {  	p3 =	por @!p0 p4, p4;
	_ =	swait.ge [sflag:s31], $0x2000  }
0xd9: {  	s0 =	simm.s32 @p3 $0x80;
	[sflag:s31] =	ssyncset.done $0x0  }
0xda: {  	s7 =	simm.s32 @p3 $0x280;
	s8 =	simm.s32 @p3 $0x8400;
	[sflag:s31] =	ssyncadd.s32 $0xFFFFE000  }
0xdb: {  	[spmem:s3] =	stream.indirect.scatter.add.f32 @p3 [tilespmem:s8], [sflag:$0x9], $0x1, s7, s0, $0xb8;
	[tilespmem:$0x1C980] =	vst v63  }
0xdc: {  	s7 =	simm.s32 @p3 $0x9  }
0xdd: {  	_ =	swait.ge @p3 [sflag:s7], $0x80  }
0xde: {  	[sflag:s7] =	ssyncset.done @p3 $0x0  }
0xdf: {  	s10 =	simm.s32 @!p2 $0x80;
	s9 =	sadd.s32 @!p2 $0x50, s25;
	[sflag:s7] =	ssyncadd.s32 @p3 $0xFFFFFF80  }
0xe0: {  	[tilespmem:s10], [sflag:$0x2] =	stream.linear.gather @!p2 [hbm4b:s9+s26], $0x80, $0x38;
	[tilespmem:$0x1C980] =	vst v63  }
0xe1: {  	s9 =	sadd.s32 @!p2 $0x50, s20;
	s10 =	simm.s32 @!p2 $0x280  }
0xe2: {  	[tilespmem:s10], [sflag:$0x2] =	stream.linear.gather @!p2 [hbm4b:s9+s26], $0x80, $0x38;
	[tilespmem:$0x1C980] =	vst v63  }
0xe3: {  	_ =	swait.ge [sflag:s23], $0x2000  }
0xe4: {  	[sflag:s23] =	ssyncset.done $0x0  }
0xe5: {  	s10 =	simm.s32 $0x300;
	[sflag:s23] =	ssyncadd.s32 $0xFFFFE000  }
0xe6: {  	[spmem:s2] =	stream.indirect.scatter.add.f32 [tilespmem:s15], [sflag:$0x9], $0x40, s10, s6, $0xb8;
	[tilespmem:$0x1C980] =	vst v63  }
0xe7: {  	_ =	swait.ge [sflag:s31], $0x2000  }
0xe8: {  	[sflag:s31] =	ssyncset.done $0x0  }
0xe9: {  	s9 =	simm.s32 @p3 $0x300;
	[sflag:s31] =	ssyncadd.s32 $0xFFFFE000  }
0xea: {  	[spmem:s3] =	stream.indirect.scatter.add.f32 @p3 [tilespmem:s8], [sflag:$0x9], $0x1, s9, s0, $0xb8;
	[tilespmem:$0x1C980] =	vst v63  }
0xeb: {  	_ =	swait.ge @p3 [sflag:s7], $0x80  }
0xec: {  	[sflag:s7] =	ssyncset.done @p3 $0x0  }
0xed: {  	s10 =	simm.s32 @!p2 $0x100;
	s9 =	sadd.s32 @!p2 $0x60, s25;
	[sflag:s7] =	ssyncadd.s32 @p3 $0xFFFFFF80  }
0xee: {  	[tilespmem:s10], [sflag:$0x3] =	stream.linear.gather @!p2 [hbm4b:s9+s26], $0x80, $0x38;
	[tilespmem:$0x1C980] =	vst v63  }
0xef: {  	s9 =	sadd.s32 @!p2 $0x60, s20;
	s10 =	simm.s32 @!p2 $0x300  }
0xf0: {  	[tilespmem:s10], [sflag:$0x3] =	stream.linear.gather @!p2 [hbm4b:s9+s26], $0x80, $0x38;
	[tilespmem:$0x1C980] =	vst v63  }
0xf1: {  	_ =	swait.ge [sflag:s24], $0x2000  }
0xf2: {  	[sflag:s24] =	ssyncset.done $0x0  }
0xf3: {  	[sflag:s24] =	ssyncadd.s32 $0xFFFFE000  }
0xf4: {  	[spmem:s2] =	stream.indirect.scatter.add.f32 [tilespmem:s19], [sflag:$0x9], $0x40, s5, s6, $0xb8;
	[tilespmem:$0x1C980] =	vst v63  }
0xf5: {  	_ =	swait.ge [sflag:s31], $0x2000  }
0xf6: {  	[sflag:s31] =	ssyncset.done $0x0  }
.Ltmp3:
0xf7: {  	s9 =	simm.s32 @p3 $0x380;
	[sflag:s31] =	ssyncadd.s32 $0xFFFFE000;
	(pc) =	sbr.rel @p2 .LBB2_6-.Ltmp3, $4  }
0xf8: {  	[spmem:s3] =	stream.indirect.scatter.add.f32 @p3 [tilespmem:s8], [sflag:$0x9], $0x1, s9, s0, $0xb8;
	[tilespmem:$0x1C980] =	vst v63  }
0xf9: {  	_ =	swait.ge @p3 [sflag:s7], $0x80  }
0xfa: {  	[sflag:s7] =	ssyncset.done @p3 $0x0  }
0xfb: {  	s5 =	simm.s32 $0x380;
	[sflag:s7] =	ssyncadd.s32 @p3 $0xFFFFFF80  }
0xfc: {  	s0 =	sadd.s32 s28, s18  }
.Ltmp4:
0xfd: {  	s26 =	sadd.s32 s28, s17;
	s0 =	sadd.s32 $0x70, s0;
	(pc) =	sbr.rel .LBB2_4-.Ltmp4, $4  }
0xfe: {  	[tilespmem:s11], [sflag:$0x4] =	stream.linear.gather [hbm4b:s0+s4], $0x80, $0x38;
	[tilespmem:$0x1C980] =	vst v63  }
0xff: {  	s29 =	sadd.s32 $0x1, s29;
	s0 =	sadd.s32 $0x70, s26  }
0x100: {  	[tilespmem:s5], [sflag:$0x4] =	stream.linear.gather [hbm4b:s0+s4], $0x80, $0x38;
	[tilespmem:$0x1C980] =	vst v63  }
0x101: {  	s28 =	sadd.s32 $0x40, s28;
	s8 =	simm.s32 $0x180;
	s5 =	simm.s32 $0x380  }
.LBB2_7:
0x102: {  	_ =	sfence.sel $0x180000  }
0x103: {  	[bflag:$0x0] =	sbarrier.arrive $0xFFFF  }
0x104: {  	_ =	strace $0x90000047  }
0x105: {  	[bflag:$0x2] =	sbarrier.arrive $0xFFFF  }
0x106: {  	p0 =	sne.s32 s26, $0x0;
	s0 =	rddreg [dreg:$0x6]  }
0x107: {  	s0 =	sadd.s32 @!p0 $0x100000, s0  }
0x108: {  	[sflag:s0] =	ssyncadd.tile.s32 @!p0 $0x1;
	_ =	shalt  }
.Lfunc_end2:
_tile_overlayer_lowered:
.L_overlay_start_2:
0x109: {  	(tag) =	ssettag $0x2  }
0x10a: {  	s0 =	rddreg [dreg:$0x0];
	s2 =	stileid.u32  }
0x10b: {  	s1 =	rddreg [dreg:$0x1];
	p0 =	sne.s32 s2, $0x0  }
0x10c: {  	s3 =	rddreg [dreg:$0x2];
	[bflag:$0x3] =	sbarrier.arrive $0xFFFF;
	s2 =	simm.s32 @!p0 $0x1C09  }
0x10d: {  	[timem:s3], [sflag:s2] =	dma.local @!p0 [hbm:s0], s1  }
0x10e: {  	s0 =	simm.s32 @!p0 $0x9  }
0x10f: {  	_ =	swait.ge @!p0 [sflag:s0], s1  }
0x110: {  	s1 =	ssub.s32 @!p0 $0x0, s1;
	[sflag:s0] =	ssyncset.done @!p0 $0x0  }
0x111: {  	[sflag:s0] =	ssyncadd.s32 @!p0 s1  }
0x112: {  	[bflag:$0x3] =	sbarrier.arrive $0xFFFF  }
0x113: {  	_ =	shalt  }

// kernel: kernel.9.cloned.1.call-start
scs
__scs_entry_jumppad:
0x0: {  	(pc) =	sbr.rel $0x88, $3  }
0x1: {  	(tag) =	ssettag $0x0;
	lr =	simm.s32 $0x1  }
0x2: {  	[smem:$0x3F95] =	sst lr;
	_ =	strace $0xD0000000  }
0x3: {  	_ = 	snop  }
0x4: {  	_ = 	snop  }
0x5: {  	_ = 	snop  }
0x6: {  	_ = 	snop  }
0x7: {  	_ = 	snop  }
__scs_overlays_trampoline_lowered:
0x8: {  	[smem:$0x3FA4] =	sst s0  }
0x9: {  	[smem:$0x3FA5] =	sst s1  }
0xa: {  	[smem:$0x3FA6] =	sst s2  }
0xb: {  	[smem:$0x3FA7] =	sst s3  }
0xc: {  	[smem:$0x3FA8] =	sst s4  }
0xd: {  	[smem:$0x3FA9] =	sst s5  }
0xe: {  	[smem:$0x3FAA] =	sst s6  }
0xf: {  	[smem:$0x3FAB] =	sst s7  }
0x10: {  	[smem:$0x3FAC] =	sst s8  }
0x11: {  	[smem:$0x3FAD] =	sst s9;
	s0 =	simm.s32 @!p0 $0x0  }
0x12: {  	s1 =	sld [smem:$0x3F93];
	s0 =	simm.s32 @p0 $0x1  }
0x13: {  	[smem:$0x3FAE] =	sst s0;
	s0 =	simm.s32 @!p1 $0x0  }
0x14: {  	s2 =	sld [smem:$0x3F92];
	s0 =	simm.s32 @p1 $0x1  }
0x15: {  	[smem:$0x3FAF] =	sst s0;
	s0 =	simm.s32 @!p2 $0x0  }
0x16: {  	s3 =	sld [smem:$0x3FDB];
	s0 =	simm.s32 @p2 $0x1  }
0x17: {  	s4 =	simm.s32 $0x1BF5;
	[smem:$0x3FB1] =	sst s0  }
0x18: {  	s0 =	sld [smem:$0x3F94];
	_ =	swait.ge [sflag:s4], $0x0  }
0x19: {  	s7 =	sld [smem:$0x3F95]  }
0x1a: {  	s8 =	sadd.s32 $0xFFFFE003, lr  }
0x1b: {  	s9 =	sadd.s32 $0xFFFFFEF7, lr;
	s5 =	simm.s32 $0xFFFFFFFF;
	p2 =	slt.u32 s8, $0xFFFFF086  }
0x1c: {  	p1 =	slt.u32 s9, $0xF7A;
	s5 =	simm.s32 @!p2 $0x0  }
0x1d: {  	s5 =	simm.s32 @p1 $0x1;
	p0 =	seq.s32 s7, s2  }
0x1e: {  	s7 =	smul.u32 @!p0 $0xF7A, s2;
	p2 =	seq.s32 @!p0 s5, $0x0  }
0x1f: {  	s9 =	smul.u32 $0xF7A, s1;
	s8 =	simm.s32 @!p0 $0x1BF5;
	p2 =	por !p2, p0  }
0x20: {  	[sflag:s8] =	ssyncset.s32 @!p0 $0xFFFFF086;
	s6 =	sadd.s32 @!p0 s3, s7;
	s7 =	simm.s32 @!p0 $0x108  }
0x21: {  	s3 =	sadd.s32 s3, s9;
	s6 =	sadd.s32 @!p0 $0x88, s6;
	s7 =	simm.s32 @p2 $0x1082  }
0x22: {  	[simem:s7], [sflag:s8] =	dma.local @!p0 [hbm:s6], $0xF7A  }
0x23: {  	s9 =	sor.u32 $0xD0000000, s2;
	s6 =	simm.s32 $0x108;
	_ =	swait.ge @!p0 [sflag:s8], $0x0  }
0x24: {  	s3 =	sadd.s32 $0x88, s3;
	s6 =	simm.s32 @!p1 $0x1082;
	[sflag:s4] =	ssyncset.s32 $0xFFFFF086  }
0x25: {  	[simem:s6], [sflag:s4] =	dma.local [hbm:s3], $0xF7A  }
0x26: {  	[smem:$0x3F95] =	sst s1;
	(tag) =	ssettag s2;
	_ =	strace s9  }
0x27: {  	s1 =	sld [smem:$0x3FA5]  }
0x28: {  	s2 =	sld [smem:$0x3FA6]  }
0x29: {  	s4 =	sld [smem:$0x3FA8]  }
0x2a: {  	p0 =	seq.s32 s5, $0x0;
	s5 =	sld [smem:$0x3FA9]  }
0x2b: {  	s6 =	sld [smem:$0x3FAA]  }
0x2c: {  	s7 =	sld [smem:$0x3FAB]  }
0x2d: {  	s3 =	simm.s32 $0x108;
	s8 =	sld [smem:$0x3FAC]  }
0x2e: {  	s3 =	simm.s32 @!p0 $0x1082;
	s9 =	sld [smem:$0x3FAD]  }
0x2f: {  	lr =	sadd.s32 s0, s3;
	s0 =	sld [smem:$0x3FA4]  }
0x30: {  	s3 =	sld [smem:$0x3FA7]  }
0x31: {  	[smem:$0x3FB0] =	sst s10  }
0x32: {  	s10 =	sld [smem:$0x3FAE];
	_ =	sdelay $0x3  }
0x33: {  	p0 =	seq.s32 s10, $0x1;
	s10 =	sld [smem:$0x3FB0];
	_ =	sdelay $0x3  }
0x34: {  	[smem:$0x3FB0] =	sst s10  }
0x35: {  	s10 =	sld [smem:$0x3FAF];
	_ =	sdelay $0x3  }
0x36: {  	p1 =	seq.s32 s10, $0x1;
	s10 =	sld [smem:$0x3FB0];
	_ =	sdelay $0x3  }
0x37: {  	[smem:$0x3FB0] =	sst s10  }
0x38: {  	s10 =	sld [smem:$0x3FB1]  }
0x39: {  	_ = 	snop;
	(pc) =	sbr.ind lr, $3  }
0x3a: {  	_ = 	snop  }
0x3b: {  	_ = 	snop  }
0x3c: {  	p2 =	seq.s32 s10, $0x1;
	s10 =	sld [smem:$0x3FB0]  }
0x3d: {  	_ =	shalt  }
0x3e: {  	_ =	shalt  }
0x3f: {  	_ =	shalt  }
0x40: {  	_ =	shalt  }
0x41: {  	_ =	shalt  }
0x42: {  	_ =	shalt  }
0x43: {  	_ =	shalt  }
0x44: {  	_ =	shalt  }
0x45: {  	_ =	shalt  }
0x46: {  	_ =	shalt  }
0x47: {  	_ =	shalt  }
0x48: {  	_ =	shalt  }
0x49: {  	_ =	shalt  }
0x4a: {  	_ =	shalt  }
0x4b: {  	_ =	shalt  }
0x4c: {  	_ =	shalt  }
0x4d: {  	_ =	shalt  }
0x4e: {  	_ =	shalt  }
0x4f: {  	_ =	shalt  }
0x50: {  	_ =	shalt  }
0x51: {  	_ =	shalt  }
0x52: {  	_ =	shalt  }
0x53: {  	_ =	shalt  }
0x54: {  	_ =	shalt  }
0x55: {  	_ =	shalt  }
0x56: {  	_ =	shalt  }
0x57: {  	_ =	shalt  }
0x58: {  	_ =	shalt  }
0x59: {  	_ =	shalt  }
0x5a: {  	_ =	shalt  }
0x5b: {  	_ =	shalt  }
0x5c: {  	_ =	shalt  }
0x5d: {  	_ =	shalt  }
0x5e: {  	_ =	shalt  }
0x5f: {  	_ =	shalt  }
0x60: {  	_ =	shalt  }
0x61: {  	_ =	shalt  }
0x62: {  	_ =	shalt  }
0x63: {  	_ =	shalt  }
0x64: {  	_ =	shalt  }
0x65: {  	_ =	shalt  }
0x66: {  	_ =	shalt  }
0x67: {  	_ =	shalt  }
0x68: {  	_ =	shalt  }
0x69: {  	_ =	shalt  }
0x6a: {  	_ =	shalt  }
0x6b: {  	_ =	shalt  }
0x6c: {  	_ =	shalt  }
0x6d: {  	_ =	shalt  }
0x6e: {  	_ =	shalt  }
0x6f: {  	_ =	shalt  }
0x70: {  	_ =	shalt  }
0x71: {  	_ =	shalt  }
0x72: {  	_ =	shalt  }
0x73: {  	_ =	shalt  }
0x74: {  	_ =	shalt  }
0x75: {  	_ =	shalt  }
0x76: {  	_ =	shalt  }
0x77: {  	_ =	shalt  }
0x78: {  	_ =	shalt  }
0x79: {  	_ =	shalt  }
0x7a: {  	_ =	shalt  }
0x7b: {  	_ =	shalt  }
0x7c: {  	_ =	shalt  }
0x7d: {  	_ =	shalt  }
0x7e: {  	_ =	shalt  }
0x7f: {  	_ =	shalt  }
0x80: {  	_ =	shalt  }
0x81: {  	_ =	shalt  }
0x82: {  	_ =	shalt  }
0x83: {  	_ =	shalt  }
0x84: {  	_ =	shalt  }
0x85: {  	_ =	shalt  }
0x86: {  	_ =	shalt  }
0x87: {  	_ =	shalt  }
.Lfunc_end0:
.L_simem_size_0:
called_computation.1_lowered:
.L_overlay_start_0:
0x88: {  	s2 =	sld [smem:$0x3FD9]  }
0x89: {  	s3 =	sld [smem:$0x3FFE];
	_ =	sdelay $0x1  }
0x8a: {  	s1 =	srdreg.scid  }
0x8b: {  	s0 =	sand.u32 $0x1, s1  }
0x8c: {  	s17 =	sshll.u32 s0, $0xA;
	s2 =	sadd.s32 s3, s2  }
0x8d: {  	s2 =	sadd.s32 s2, s17  }
0x8e: {  	[smem:$0x3FBC] =	sst s2  }
0x8f: {  	_ = 	snop  }
0x90: {  	s2 =	sld [smem:$0x3FD0];
	(tm) =	ssettm $0x1  }
0x91: {  	s18 =	sld [smem:$0x3FFB];
	_ =	sdelay $0x3  }
0x92: {  	_ =	strace s18  }
0x93: {  	s3 =	sld [smem:$0x3FFC];
	_ =	sdelay $0x3  }
0x94: {  	_ =	strace s3  }
0x95: {  	s3 =	sld [smem:$0x3FFD];
	_ =	sdelay $0x3  }
0x96: {  	_ =	strace s3  }
0x97: {  	_ =	strace $0x8FFFFFFF  }
0x98: {  	s19 =	sld [smem:$0x3FDB];
	_ =	sdelay $0x1  }
0x99: {  	s4 =	simm.s32 $_scs_section_size  }
0x9a: {  	s5 =	simm.s32 $_size__tile_overlayer_lowered;
	s6 =	simm.s32 $_tile_overlayer_lowered  }
0x9b: {  	s22 =	simm.s32 $0x1BFF;
	s21 =	sshll.u32 s6, $0x1;
	s3 =	sadd.s32 s4, s19  }
0x9c: {  	s7 =	simm.s32 $0x0;
	s20 =	sshll.u32 s5, $0x1;
	s5 =	sadd.s32 s21, s3  }
0x9d: {  	[timem:s7], [sflag:s22] =	dma.local [hbm:s5], s20  }
0x9e: {  	_ =	swait.ge [sflag:s22], s20  }
0x9f: {  	s4 =	ssub.s32 $0x0, s20;
	[sflag:s22] =	ssyncset.done $0x0  }
0xa0: {  	[sflag:s22] =	ssyncadd.s32 s4;
	_ =	sdelay $0x1  }
0xa1: {  	s23 =	simm.s32 $0x1B8B  }
0xa2: {  	_ =	swait.ge [sflag:s23], $0x1  }
0xa3: {  	[sflag:s23] =	ssyncset.done $0x0  }
0xa4: {  	s25 =	simm.s32 $0x1B8E;
	s24 =	sld [smem:$0x3FFE];
	[sflag:s23] =	ssyncadd.s32 $0xFFFFFFFF  }
0xa5: {  	s26 =	simm.s32 $execute0_lowered;
	[smem:$0x3FD2] =	sst s25  }
0xa6: {  	s5 =	sshll.u32 s26, $0x1;
	_ =	strace $0x80000049;
	[dreg:$0x1] =	wrdreg $0xFFFFFFFF  }
0xa7: {  	s28 =	simm.s32 $_size_execute0_lowered;
	s3 =	sadd.s32 s3, s5;
	[dreg:$0x0] =	wrdreg $0x0  }
0xa8: {  	s5 =	sshll.u32 s28, $0x1;
	[dreg:$0x2] =	wrdreg s3  }
0xa9: {  	[dreg:$0x3] =	wrdreg s5  }
0xaa: {  	[dreg:$0x4] =	wrdreg $0xC0  }
0xab: {  	_ =	task [dreg:s7], $0x5FFFF  }
0xac: {  	[dreg:$0x1] =	wrdreg $0xFFFFFFFF  }
0xad: {  	[dreg:$0x0] =	wrdreg $0x60  }
0xae: {  	[dreg:$0x2] =	wrdreg s2  }
0xaf: {  	[dreg:$0x3] =	wrdreg s24  }
0xb0: {  	[dreg:$0x4] =	wrdreg $0x84000  }
0xb1: {  	[dreg:$0x5] =	wrdreg $0x124000  }
0xb2: {  	[dreg:$0x6] =	wrdreg $0x9  }
0xb3: {  	_ =	task.clear_ibuf [dreg:s7], $0x7FFFF;
	_ =	strace $0x90000049  }
0xb4: {  	s29 =	simm.s32 $0x9;
	_ =	strace $0x8000004B  }
0xb5: {  	_ =	swait.ge [sflag:s29], $0x1  }
0xb6: {  	[sflag:s29] =	ssyncadd.s32 $0xFFFFFFFF  }
0xb7: {  	_ =	strace $0x9000004B  }
0xb8: {  	_ =	sfence  }
0xb9: {  	s30 =	sld [smem:$0x0];
	_ =	sdelay $0x2  }
0xba: {  	s31 =	sshll.u32 s1, $0xD;
	s1 =	sshrl.u32 s1, $0x2  }
0xbb: {  	s3 =	sand.u32 $0x4000, s31;
	s1 =	sadd.s32 s1, s30  }
0xbc: {  	s0 =	sor.u32 s3, s0;
	s1 =	sshll.u32 s1, $0x11  }
0xbd: {  	s0 =	sor.u32 s1, s0  }
0xbe: {  	s0 =	sadd.s32 $0x8F2B, s0  }
0xbf: {  	[sflag:s0] =	ssyncadd.remote.s32 $0x1  }
0xc0: {  	_ =	sfence.sel $0xFFFF  }
0xc1: {  	[dreg:$0x0] =	wrdreg $0xFFFFFFFF;
	(pc) =	sbr.abs _section_cstart, $3  }
0xc2: {  	[dreg:$0x1] =	wrdreg $0xFFFFFFFF  }
0xc3: {  	_ =	task.clear_ibuf [dreg:s7], $0x2FFFF;
	_ =	strace $0x9FFFFFFF  }
0xc4: {  	(tm) =	ssettm $0x7FFFFFFF  }
0xc5: {  	_ =	shalt  }
tec
execute0_lowered:
.L_overlay_start_1:
0x0: {  	(tag) =	ssettag $0x1  }
0x1: {  	s0 =	rddreg [dreg:$0x0]  }
0x2: {  	s3 =	rddreg [dreg:$0x1]  }
0x3: {  	s1 =	rddreg [dreg:$0x2]  }
0x4: {  	s2 =	rddreg [dreg:$0x3];
	s4 =	simm.s32 $0x0;
	s5 =	srdreg.scid  }
0x5: {  	s24 =	stileid.u32;
	s28 =	simm.s32 $0x9;
	s29 =	simm.s32 $0x200  }
0x6: {  	s30 =	simm.s32 $0x80;
	s31 =	simm.s32 $0x300;
	s6 =	smul.u32 $0x14000, s24  }
0x7: {  	[smem:$0x7FF] =	sst s4;
	s5 =	sand.u32 $0x1, s5;
	s9 =	smul.u32 $0x28000, s24  }
0x8: {  	s8 =	sadd.s32 $0xDE00, s3;
	s10 =	sadd.s32 $0x3E00, s3;
	s13 =	smul.u32 $0xA000, s24  }
0x9: {  	s14 =	smul.u32 $0x5000, s24;
	_ =	strace $0x8000004A;
	s7 =	ssub.s32 $0x2, s5  }
0xa: {  	s12 =	sshll.u32 s5, $0x6;
	s18 =	sshll.u32 s5, $0x3;
	p0 =	seq.s32 s5, $0x1  }
0xb: {  	s5 =	simm.s32 $0x17E00;
	s11 =	sshrl.u32 s7, $0x1;
	s6 =	sor.u32 s12, s6  }
0xc: {  	s9 =	sshrl.u32 s9, $0x2;
	s25 =	sadd.s32 s13, s2;
	s20 =	sshrl.u32 s14, $0x3  }
0xd: {  	s5 =	simm.s32 @!p0 $0x7CA00;
	s13 =	sshrl.u32 s13, $0x3;
	p0 =	seq.s32 s24, $0xF  }
0xe: {  	s11 =	ssub.s32 s7, s11;
	s12 =	sadd.s32 s9, s1;
	s6 =	sshrl.u32 s6, $0x3  }
0xf: {  	s7 =	sadd.s32 s18, s0;
	s14 =	sor.u32 $0x10, s20;
	s23 =	sadd.s32 s8, s20  }
0x10: {  	s26 =	sadd.s32 s10, s20;
	s3 =	sadd.s32 s5, s3;
	[dreg:$0x7] =	wrdreg s25  }
0x11: {  	s18 =	smul.u32 $0xA00, s24;
	s5 =	simm.s32 $0x180;
	[dreg:$0xa] =	wrdreg s23  }
0x12: {  	s0 =	sadd.s32 s0, s6;
	s19 =	sadd.s32 $0x25800, s7;
	[dreg:$0xb] =	wrdreg s26  }
0x13: {  	s6 =	sadd.s32 s9, s2;
	s15 =	sadd.s32 s8, s14;
	[dreg:$0x5] =	wrdreg s0  }
0x14: {  	s16 =	sadd.s32 s10, s14;
	s9 =	sor.u32 $0x30, s20;
	[dreg:$0x6] =	wrdreg s19  }
0x15: {  	s3 =	sadd.s32 s3, s13;
	s26 =	smax.u32 s11, $0x1;
	[dreg:$0xc] =	wrdreg s15  }
0x16: {  	s11 =	simm.s32 $0x4400;
	s13 =	simm.s32 $0x6400;
	[dreg:$0xd] =	wrdreg s16  }
0x17: {  	s14 =	simm.s32 $0x5;
	s0 =	sadd.s32 $0x96000, s1;
	[dreg:$0x10] =	wrdreg s3  }
0x18: {  	s21 =	sadd.s32 $0x2000, s6;
	s22 =	sadd.s32 $0x4000, s6;
	[dreg:$0x15] =	wrdreg s26  }
0x19: {  	s15 =	sor.u32 $0x20, s20;
	s20 =	sadd.s32 s8, s9;
	[dreg:$0x8] =	wrdreg s21  }
0x1a: {  	s23 =	sadd.s32 $0x8000, s6;
	s26 =	simm.s32 $0x400;
	[dreg:$0x9] =	wrdreg s22  }
0x1b: {  	s3 =	simm.s32 $0x380;
	s16 =	simm.s32 $0x8;
	[dreg:$0x11] =	wrdreg s20  }
0x1c: {  	s17 =	sadd.s32 s8, s15;
	s19 =	sadd.s32 s10, s15;
	[dreg:$0x14] =	wrdreg s23  }
0x1d: {  	s21 =	sadd.s32 s10, s9;
	s20 =	sadd.s32 s18, s8;
	[dreg:$0xe] =	wrdreg s17  }
0x1e: {  	s22 =	sadd.s32 $0x6000, s6;
	s0 =	sshrl.u32 @p0 s0, $0x3;
	[dreg:$0xf] =	wrdreg s19  }
.Ltmp0:
0x1f: {  	s6 =	simm.s32 $0x1;
	[dreg:$0x12] =	wrdreg s21;
	(pc) =	sbr.rel .LBB2_1-.Ltmp0, $4  }
0x20: {  	s8 =	simm.s32 $0x2;
	s9 =	simm.s32 $0x2400;
	[dreg:$0x13] =	wrdreg s22  }
0x21: {  	s15 =	simm.s32 $0x7;
	s19 =	sadd.s32 s18, s10;
	[dreg:$0x16] =	wrdreg s0  }
0x22: {  	s0 =	sshrl.u32 @!p0 s12, $0x3;
	s10 =	simm.s32 $0x3;
	s12 =	simm.s32 $0x4  }
0x23: {  	v0 =	vimm.f32 $0.0e+00;
	s17 =	simm.s32 $0x0;
	[dreg:$0x17] =	wrdreg s0;
	s0 =	simm.s32 $0x100  }
.LBB2_6:
0x24: {  	_ =	swait.ge [sflag:s16], $0x2000  }
0x25: {  	[sflag:s16] =	ssyncset.done $0x0  }
0x26: {  	[sflag:s16] =	ssyncadd.s32 $0xFFFFE000  }
0x27: {  	[spmem:s2] =	stream.indirect.scatter.add.f32 [tilespmem:s13], [sflag:$0x9], $0x40, s3, s30, $0xb8;
	[tilespmem:$0x1C400] =	vst v63  }
0x28: {  	_ =	swait.ge [sflag:s28], $0x2000  }
0x29: {  	[sflag:s28] =	ssyncset.done $0x0  }
0x2a: {  	[sflag:s28] =	ssyncadd.s32 $0xFFFFE000  }
0x2b: {  	s24 =	stileid.u32;
	[bflag:$0x0] =	sbarrier.arrive $0xFFFF  }
0x2c: {  	s7 =	sshll.u32 s24, $0x6;
	s25 =	rddreg [dreg:$0x7]  }
0x2d: {  	s7 =	sor.u32 $0x1C09, s7;
	s21 =	rddreg [dreg:$0x10];
	s18 =	sshrl.u32 s25, $0x3  }
0x2e: {  	[hbm:s21], [sflag:s7] =	dma.local [spmem:s18], $0x1400  }
0x2f: {  	_ =	swait.ge [sflag:s28], $0x1400  }
0x30: {  	s17 =	sadd.s32 $0x1, s17;
	s23 =	rddreg [dreg:$0x15]  }
0x31: {  	p1 =	sne.s32 s17, s23  }
.Ltmp1:
0x32: {  	_ = 	snop;
	(pc) =	sbr.rel @!p1 .LBB2_7-.Ltmp1, $3  }
0x33: {  	_ =	sdelay $0x1  }
0x34: {  	[sflag:s28] =	ssyncset.done $0x0  }
0x35: {  	[sflag:s28] =	ssyncadd.s32 $0xFFFFEC00  }
.LBB2_1:
0x36: {  	[dreg:$0x18] =	wrdreg s17  }
0x37: {  	s18 =	simm.s32 @p0 $0x1;
	s21 =	simm.s32 @p0 $0x8;
	s7 =	rddreg [dreg:$0x6]  }
0x38: {  	s22 =	simm.s32 @p0 $0x10;
	s23 =	simm.s32 @p0 $0x1FC9;
	s17 =	rddreg [dreg:$0x16]  }
0x39: {  	[spmem:s17@s21], [sflag:s23] =	dma.strided @p0 [hbm:s7@s22], $0xC80, s18, $0x8   }
0x3a: {  	s18 =	simm.s32 @p0 $0x9  }
0x3b: {  	_ =	swait.ge @p0 [sflag:s18], $0xC80  }
0x3c: {  	s21 =	sshll.u32 @!p0 s24, $0x6;
	s22 =	simm.s32 @!p0 $0x8;
	s7 =	rddreg [dreg:$0x5]  }
0x3d: {  	s23 =	simm.s32 @!p0 $0x10;
	[sflag:s18] =	ssyncset.done @p0 $0x0;
	s17 =	rddreg [dreg:$0x17]  }
0x3e: {  	[sflag:s18] =	ssyncadd.s32 @p0 $0xFFFFF380;
	s18 =	sor.u32 @!p0 $0x1C09, s21;
	s21 =	simm.s32 @!p0 $0x1  }
0x3f: {  	[spmem:s17@s22], [sflag:s18] =	dma.strided @!p0 [hbm:s7@s23], $0x1400, s21, $0x8   }
0x40: {  	s18 =	simm.s32 @!p0 $0x9  }
0x41: {  	_ =	swait.ge @!p0 [sflag:s18], $0x1400  }
0x42: {  	[sflag:s18] =	ssyncset.done @!p0 $0x0  }
0x43: {  	s21 =	simm.s32 $0x100;
	[sflag:s18] =	ssyncadd.s32 @!p0 $0xFFFFEC00;
	s18 =	simm.s32 $0x0  }
.LBB2_2:
0x44: {  	p1 =	sne.s32 s21, $0x7F00;
	[tilespmem:s18+$0x430] =	vst v0;
	s22 =	smov.u32 s21;
	s21 =	sadd.s32 $0x100, s21  }
.Ltmp2:
0x45: {  	[tilespmem:s18+$0x420] =	vst v0;
	(pc) =	sbr.rel @p1 .LBB2_2-.Ltmp2, $3  }
0x46: {  	[tilespmem:s18+$0x400] =	vst v0  }
0x47: {  	[tilespmem:s18+$0x410] =	vst v0;
	_ =	sdelay $0x1  }
0x48: {  	s18 =	sshra.s32 s22, $0x2  }
0x49: {  	[tilespmem:s18+$0x430] =	vst v0  }
0x4a: {  	[tilespmem:s18+$0x420] =	vst v0  }
0x4b: {  	[tilespmem:s18+$0x400] =	vst v0  }
0x4c: {  	[tilespmem:s18+$0x410] =	vst v0  }
0x4d: {  	[spmem:s25] =	stream.linear.scatter [tilespmem:s26], [sflag:$0x9], $0x2000, $0x38;
	[tilespmem:$0x1C400] =	vst v63  }
0x4e: {  	_ =	swait.ge [sflag:s28], $0x2000  }
0x4f: {  	[sflag:s28] =	ssyncset.done $0x0  }
0x50: {  	s7 =	rddreg [dreg:$0x8];
	[sflag:s28] =	ssyncadd.s32 $0xFFFFE000  }
0x51: {  	[spmem:s7] =	stream.linear.scatter [tilespmem:s26], [sflag:$0x9], $0x2000, $0x38;
	[tilespmem:$0x1C400] =	vst v63  }
0x52: {  	_ =	swait.ge [sflag:s28], $0x2000  }
0x53: {  	[sflag:s28] =	ssyncset.done $0x0  }
0x54: {  	s21 =	rddreg [dreg:$0x9];
	[sflag:s28] =	ssyncadd.s32 $0xFFFFE000  }
0x55: {  	[spmem:s21] =	stream.linear.scatter [tilespmem:s26], [sflag:$0x9], $0x2000, $0x38;
	[tilespmem:$0x1C400] =	vst v63  }
0x56: {  	_ =	swait.ge [sflag:s28], $0x2000  }
0x57: {  	[sflag:s28] =	ssyncset.done $0x0  }
0x58: {  	s22 =	rddreg [dreg:$0x13];
	[sflag:s28] =	ssyncadd.s32 $0xFFFFE000  }
0x59: {  	[spmem:s22] =	stream.linear.scatter [tilespmem:s26], [sflag:$0x9], $0x2000, $0x38;
	[tilespmem:$0x1C400] =	vst v63  }
0x5a: {  	_ =	swait.ge [sflag:s28], $0x2000  }
0x5b: {  	[sflag:s28] =	ssyncset.done $0x0  }
0x5c: {  	s23 =	rddreg [dreg:$0x14];
	[sflag:s28] =	ssyncadd.s32 $0xFFFFE000  }
0x5d: {  	[spmem:s23] =	stream.linear.scatter [tilespmem:s26], [sflag:$0x9], $0x2000, $0x38;
	[tilespmem:$0x1C400] =	vst v63  }
0x5e: {  	_ =	swait.ge [sflag:s28], $0x2000  }
0x5f: {  	[sflag:s28] =	ssyncset.done $0x0  }
0x60: {  	[sflag:s28] =	ssyncadd.s32 $0xFFFFE000  }
0x61: {  	[bflag:$0x0] =	sbarrier.arrive $0xFFFF  }
0x62: {  	s24 =	rddreg [dreg:$0xa]  }
0x63: {  	s18 =	simm.s32 $0x0;
	s25 =	rddreg [dreg:$0xb]  }
0x64: {  	[tilespmem:s18], [sflag:$0x1] =	stream.linear.gather [hbm4b:s24+s18], $0x80, $0x38;
	[tilespmem:$0x1C400] =	vst v63  }
0x65: {  	s17 =	rddreg [dreg:$0xc]  }
0x66: {  	[tilespmem:s29], [sflag:$0x1] =	stream.linear.gather [hbm4b:s25+s18], $0x80, $0x38;
	[tilespmem:$0x1C400] =	vst v63  }
0x67: {  	s21 =	rddreg [dreg:$0xd]  }
0x68: {  	[tilespmem:s30], [sflag:$0x2] =	stream.linear.gather [hbm4b:s17+s18], $0x80, $0x38;
	[tilespmem:$0x1C400] =	vst v63  }
0x69: {  	s22 =	rddreg [dreg:$0xe];
	s17 =	simm.s32 $0x280  }
0x6a: {  	[tilespmem:s17], [sflag:$0x2] =	stream.linear.gather [hbm4b:s21+s18], $0x80, $0x38;
	[tilespmem:$0x1C400] =	vst v63  }
0x6b: {  	s23 =	rddreg [dreg:$0xf]  }
0x6c: {  	[tilespmem:s0], [sflag:$0x3] =	stream.linear.gather [hbm4b:s22+s18], $0x80, $0x38;
	[tilespmem:$0x1C400] =	vst v63  }
0x6d: {  	s24 =	rddreg [dreg:$0x11]  }
0x6e: {  	[tilespmem:s31], [sflag:$0x3] =	stream.linear.gather [hbm4b:s23+s18], $0x80, $0x38;
	[tilespmem:$0x1C400] =	vst v63  }
0x6f: {  	s25 =	rddreg [dreg:$0x12]  }
0x70: {  	[tilespmem:s5], [sflag:$0x4] =	stream.linear.gather [hbm4b:s24+s18], $0x80, $0x38;
	[tilespmem:$0x1C400] =	vst v63  }
0x71: {  	s17 =	rddreg [dreg:$0x18]  }
0x72: {  	[tilespmem:s3], [sflag:$0x4] =	stream.linear.gather [hbm4b:s25+s18], $0x80, $0x38;
	[tilespmem:$0x1C400] =	vst v63  }
.LBB2_4:
0x73: {  	_ =	swait.ge [sflag:s6], $0x80  }
0x74: {  	[sflag:s6] =	ssyncset.done $0x0  }
0x75: {  	[sflag:s6] =	ssyncadd.s32 $0xFFFFFF80  }
0x76: {  	_ =	swait.ge [sflag:s6], $0x80  }
0x77: {  	[sflag:s6] =	ssyncset.done $0x0  }
0x78: {  	[sflag:s6] =	ssyncadd.s32 $0xFFFFFF80  }
0x79: {  	[tilespmem:s26], [sflag:$0x5] =	stream.indirect.gather [spmem:s1], $0x40, s4, s30, $0xb8;
	[tilespmem:$0x1C400] =	vst v63  }
0x7a: {  	_ =	swait.ge [sflag:s8], $0x80  }
0x7b: {  	[sflag:s8] =	ssyncset.done $0x0  }
0x7c: {  	[sflag:s8] =	ssyncadd.s32 $0xFFFFFF80  }
0x7d: {  	_ =	swait.ge [sflag:s8], $0x80  }
0x7e: {  	[sflag:s8] =	ssyncset.done $0x0  }
0x7f: {  	[sflag:s8] =	ssyncadd.s32 $0xFFFFFF80  }
0x80: {  	[tilespmem:s9], [sflag:$0x6] =	stream.indirect.gather [spmem:s1], $0x40, s30, s30, $0xb8;
	[tilespmem:$0x1C400] =	vst v63  }
0x81: {  	_ =	swait.ge [sflag:s10], $0x80  }
0x82: {  	[sflag:s10] =	ssyncset.done $0x0  }
0x83: {  	[sflag:s10] =	ssyncadd.s32 $0xFFFFFF80  }
0x84: {  	_ =	swait.ge [sflag:s10], $0x80  }
0x85: {  	[sflag:s10] =	ssyncset.done $0x0  }
0x86: {  	[sflag:s10] =	ssyncadd.s32 $0xFFFFFF80  }
0x87: {  	[tilespmem:s11], [sflag:$0x7] =	stream.indirect.gather [spmem:s1], $0x40, s0, s30, $0xb8;
	[tilespmem:$0x1C400] =	vst v63  }
0x88: {  	_ =	swait.ge [sflag:s12], $0x80  }
0x89: {  	[sflag:s12] =	ssyncset.done $0x0  }
0x8a: {  	[sflag:s12] =	ssyncadd.s32 $0xFFFFFF80  }
0x8b: {  	_ =	swait.ge [sflag:s12], $0x80  }
0x8c: {  	[sflag:s12] =	ssyncset.done $0x0  }
0x8d: {  	[sflag:s12] =	ssyncadd.s32 $0xFFFFFF80  }
0x8e: {  	[tilespmem:s13], [sflag:$0x8] =	stream.indirect.gather [spmem:s1], $0x40, s5, s30, $0xb8;
	[tilespmem:$0x1C400] =	vst v63  }
0x8f: {  	_ =	swait.ge [sflag:s14], $0x2000  }
0x90: {  	[sflag:s14] =	ssyncset.done $0x0  }
0x91: {  	[sflag:s14] =	ssyncadd.s32 $0xFFFFE000  }
0x92: {  	[spmem:s2] =	stream.indirect.scatter.add.f32 [tilespmem:s26], [sflag:$0x9], $0x40, s29, s30, $0xb8;
	[tilespmem:$0x1C400] =	vst v63  }
0x93: {  	_ =	swait.ge [sflag:s28], $0x2000  }
0x94: {  	p1 =	seq.s32 s18, $0x9C0;
	[sflag:s28] =	ssyncset.done $0x0  }
0x95: {  	s21 =	simm.s32 @p1 $0x6;
	[sflag:s28] =	ssyncadd.s32 $0xFFFFE000  }
0x96: {  	_ =	swait.ge @p1 [sflag:s21], $0x2000  }
0x97: {  	s22 =	simm.s32 @p1 $0x280;
	[sflag:s21] =	ssyncset.done @p1 $0x0  }
0x98: {  	s23 =	simm.s32 @p1 $0x2400;
	[sflag:s21] =	ssyncadd.s32 @p1 $0xFFFFE000;
	s21 =	simm.s32 @p1 $0x80  }
0x99: {  	[spmem:s2] =	stream.indirect.scatter.add.f32 @p1 [tilespmem:s23], [sflag:$0x9], $0x40, s22, s21, $0xb8;
	[tilespmem:$0x1C400] =	vst v63  }
0x9a: {  	s21 =	simm.s32 @p1 $0x9  }
0x9b: {  	_ =	swait.ge @p1 [sflag:s21], $0x2000  }
0x9c: {  	s22 =	sadd.s32 @!p1 s18, s20;
	[sflag:s21] =	ssyncset.done @p1 $0x0  }
0x9d: {  	s23 =	simm.s32 @!p1 $0x0;
	[sflag:s21] =	ssyncadd.s32 @p1 $0xFFFFE000;
	s21 =	sadd.s32 @!p1 $0x40, s22  }
0x9e: {  	[tilespmem:s23], [sflag:$0x1] =	stream.linear.gather @!p1 [hbm4b:s21+s23], $0x80, $0x38;
	[tilespmem:$0x1C400] =	vst v63  }
0x9f: {  	s21 =	sadd.s32 @!p1 s18, s19  }
0xa0: {  	s25 =	simm.s32 @!p1 $0x200;
	s24 =	sadd.s32 @!p1 $0x40, s21  }
0xa1: {  	[tilespmem:s25], [sflag:$0x1] =	stream.linear.gather @!p1 [hbm4b:s24+s23], $0x80, $0x38;
	[tilespmem:$0x1C400] =	vst v63  }
0xa2: {  	s24 =	simm.s32 @!p1 $0x6  }
0xa3: {  	_ =	swait.ge @!p1 [sflag:s24], $0x2000  }
0xa4: {  	s7 =	simm.s32 @!p1 $0x2400;
	[sflag:s24] =	ssyncset.done @!p1 $0x0  }
0xa5: {  	s25 =	simm.s32 @!p1 $0x280;
	[sflag:s24] =	ssyncadd.s32 @!p1 $0xFFFFE000;
	s24 =	simm.s32 @!p1 $0x80  }
0xa6: {  	[spmem:s2] =	stream.indirect.scatter.add.f32 @!p1 [tilespmem:s7], [sflag:$0x9], $0x40, s25, s24, $0xb8;
	[tilespmem:$0x1C400] =	vst v63  }
0xa7: {  	s7 =	simm.s32 @!p1 $0x9  }
0xa8: {  	_ =	swait.ge @!p1 [sflag:s7], $0x2000  }
0xa9: {  	[sflag:s7] =	ssyncset.done @!p1 $0x0  }
0xaa: {  	[sflag:s7] =	ssyncadd.s32 @!p1 $0xFFFFE000;
	s7 =	sadd.s32 @!p1 $0x50, s22  }
0xab: {  	[tilespmem:s24], [sflag:$0x2] =	stream.linear.gather @!p1 [hbm4b:s7+s23], $0x80, $0x38;
	[tilespmem:$0x1C400] =	vst v63  }
0xac: {  	s7 =	sadd.s32 @!p1 $0x50, s21  }
0xad: {  	[tilespmem:s25], [sflag:$0x2] =	stream.linear.gather @!p1 [hbm4b:s7+s23], $0x80, $0x38;
	[tilespmem:$0x1C400] =	vst v63  }
0xae: {  	_ =	swait.ge [sflag:s15], $0x2000  }
0xaf: {  	[sflag:s15] =	ssyncset.done $0x0  }
.Ltmp3:
0xb0: {  	[sflag:s15] =	ssyncadd.s32 $0xFFFFE000;
	(pc) =	sbr.rel @p1 .LBB2_6-.Ltmp3, $4  }
0xb1: {  	[spmem:s2] =	stream.indirect.scatter.add.f32 [tilespmem:s11], [sflag:$0x9], $0x40, s31, s30, $0xb8;
	[tilespmem:$0x1C400] =	vst v63  }
0xb2: {  	_ =	swait.ge [sflag:s28], $0x2000  }
0xb3: {  	[sflag:s28] =	ssyncset.done $0x0  }
0xb4: {  	[sflag:s28] =	ssyncadd.s32 $0xFFFFE000  }
0xb5: {  	s7 =	sadd.s32 s18, s20  }
0xb6: {  	s24 =	sadd.s32 s18, s19;
	s21 =	sadd.s32 $0x60, s7  }
0xb7: {  	[tilespmem:s0], [sflag:$0x3] =	stream.linear.gather [hbm4b:s21+s4], $0x80, $0x38;
	[tilespmem:$0x1C400] =	vst v63  }
0xb8: {  	s22 =	sadd.s32 $0x60, s24  }
0xb9: {  	[tilespmem:s31], [sflag:$0x3] =	stream.linear.gather [hbm4b:s22+s4], $0x80, $0x38;
	[tilespmem:$0x1C400] =	vst v63  }
0xba: {  	_ =	swait.ge [sflag:s16], $0x2000  }
0xbb: {  	[sflag:s16] =	ssyncset.done $0x0  }
0xbc: {  	[sflag:s16] =	ssyncadd.s32 $0xFFFFE000  }
0xbd: {  	[spmem:s2] =	stream.indirect.scatter.add.f32 [tilespmem:s13], [sflag:$0x9], $0x40, s3, s30, $0xb8;
	[tilespmem:$0x1C400] =	vst v63  }
0xbe: {  	_ =	swait.ge [sflag:s28], $0x2000  }
.Ltmp4:
0xbf: {  	[sflag:s28] =	ssyncset.done $0x0;
	(pc) =	sbr.rel .LBB2_4-.Ltmp4, $4  }
0xc0: {  	s7 =	sadd.s32 $0x70, s7;
	[sflag:s28] =	ssyncadd.s32 $0xFFFFE000  }
0xc1: {  	[tilespmem:s5], [sflag:$0x4] =	stream.linear.gather [hbm4b:s7+s4], $0x80, $0x38;
	[tilespmem:$0x1C400] =	vst v63  }
0xc2: {  	s18 =	sadd.s32 $0x40, s18;
	s25 =	sadd.s32 $0x70, s24  }
0xc3: {  	[tilespmem:s3], [sflag:$0x4] =	stream.linear.gather [hbm4b:s25+s4], $0x80, $0x38;
	[tilespmem:$0x1C400] =	vst v63  }
.LBB2_7:
0xc4: {  	_ =	sfence.sel $0x180000  }
0xc5: {  	[bflag:$0x0] =	sbarrier.arrive $0xFFFF  }
0xc6: {  	_ =	strace $0x9000004A  }
0xc7: {  	[bflag:$0x2] =	sbarrier.arrive $0xFFFF  }
0xc8: {  	p0 =	sne.s32 s24, $0x0;
	s0 =	rddreg [dreg:$0x4]  }
0xc9: {  	s0 =	sadd.s32 @!p0 $0x100000, s0  }
0xca: {  	[sflag:s0] =	ssyncadd.tile.s32 @!p0 $0x1;
	_ =	shalt  }
.Lfunc_end2:
_tile_overlayer_lowered:
.L_overlay_start_2:
0xcb: {  	(tag) =	ssettag $0x2  }
0xcc: {  	s0 =	rddreg [dreg:$0x0];
	s2 =	stileid.u32  }
0xcd: {  	s1 =	rddreg [dreg:$0x1];
	p0 =	sne.s32 s2, $0x0  }
0xce: {  	s3 =	rddreg [dreg:$0x2];
	[bflag:$0x3] =	sbarrier.arrive $0xFFFF;
	s2 =	simm.s32 @!p0 $0x1C09  }
0xcf: {  	[timem:s3], [sflag:s2] =	dma.local @!p0 [hbm:s0], s1  }
0xd0: {  	s0 =	simm.s32 @!p0 $0x9  }
0xd1: {  	_ =	swait.ge @!p0 [sflag:s0], s1  }
0xd2: {  	s1 =	ssub.s32 @!p0 $0x0, s1;
	[sflag:s0] =	ssyncset.done @!p0 $0x0  }
0xd3: {  	[sflag:s0] =	ssyncadd.s32 @!p0 s1  }
0xd4: {  	[bflag:$0x3] =	sbarrier.arrive $0xFFFF  }
0xd5: {  	_ =	shalt  }

</sc_bundles>
